<compile_context>
chip_gen: v7x
topology: tpu7x:2x2x1
jax: 0.10.2.dev20260603
libtpu: 0.0.44.dev20260713+nightly
codegen_flags: <defaults>
</compile_context>

<pallas_src>
import functools

import jax
import jax.numpy as jnp
from jax import lax
from jax.experimental import pallas as pl
from jax.experimental.pallas import tpu as pltpu
from jax.experimental.pallas import tpu_sc as plsc

D = 768
E = 16
H = 1152
N = 4096
T = 256
MAXTILES = N // T + E
PAD = MAXTILES * T
RB = 512
NRB = N // RB


def _router_body(x_ref, wr_ref, eidx_ref, rank_ref, counts_ref, run_ref):
    b = pl.program_id(0)

    @pl.when(b == 0)
    def _():
        run_ref[...] = jnp.zeros_like(run_ref)

    xb = x_ref[...]
    wr = wr_ref[...]
    logits = lax.dot_general(xb, wr, (((1,), (1,)), ((), ())),
                             preferred_element_type=jnp.float32)
    lane = lax.broadcasted_iota(jnp.int32, (RB, E), 1)
    mx = jnp.max(logits, axis=1, keepdims=True)
    e = jnp.min(jnp.where(logits >= mx, lane, E), axis=1)
    oh = (e[:, None] == lane).astype(jnp.float32)

    row_i = lax.broadcasted_iota(jnp.int32, (RB, RB), 0)
    col_i = lax.broadcasted_iota(jnp.int32, (RB, RB), 1)
    lt = (col_i < row_i).astype(jnp.float32)
    rank_in = lax.dot_general(lt, oh, (((1,), (0,)), ((), ())),
                              preferred_element_type=jnp.float32)

    run = run_ref[...]
    run_b = jnp.broadcast_to(run[0:1], (RB, E))
    rank = jnp.sum((rank_in + run_b) * oh, axis=1)

    eidx_ref[...] = e.astype(jnp.int32).reshape(1, 1, RB)
    rank_ref[...] = rank.astype(jnp.int32).reshape(1, 1, RB)

    colsum = jnp.sum(oh, axis=0, keepdims=True)
    new_run = run + jnp.broadcast_to(colsum, (8, E))
    run_ref[...] = new_run
    counts_ref[...] = new_run


def _router(x_flat, Wr):
    eidx, rank, counts = pl.pallas_call(
        _router_body,
        grid=(NRB,),
        in_specs=[
            pl.BlockSpec((RB, D), lambda b: (b, 0)),
            pl.BlockSpec((E, D), lambda b: (0, 0)),
        ],
        out_specs=[
            pl.BlockSpec((1, 1, RB), lambda b: (b, 0, 0)),
            pl.BlockSpec((1, 1, RB), lambda b: (b, 0, 0)),
            pl.BlockSpec((8, E), lambda b: (0, 0)),
        ],
        out_shape=[
            jax.ShapeDtypeStruct((NRB, 1, RB), jnp.int32),
            jax.ShapeDtypeStruct((NRB, 1, RB), jnp.int32),
            jax.ShapeDtypeStruct((8, E), jnp.float32),
        ],
        scratch_shapes=[pltpu.VMEM((8, E), jnp.float32)],
    )(x_flat, Wr)
    return eidx.reshape(N), rank.reshape(N), counts[0].astype(jnp.int32)


@functools.lru_cache(maxsize=None)
def _make_sc_gather(n_rows, table_rows, chunk):
    nc, ns = 2, 16
    nw = nc * ns
    per_w = n_rows // nw
    n_chunks = per_w // chunk
    mesh = plsc.VectorSubcoreMesh(core_axis_name="c", subcore_axis_name="s",
                                  num_cores=nc, num_subcores=ns)

    @functools.partial(
        pl.kernel, mesh=mesh,
        out_type=jax.ShapeDtypeStruct((n_rows, D), jnp.float32),
        scratch_types=[
            pltpu.VMEM((chunk,), jnp.int32),
            pltpu.VMEM((chunk, D), jnp.float32),
            pltpu.SemaphoreType.DMA,
        ],
    )
    def k(table_hbm, idx_hbm, out_hbm, idx_v, rows_v, sem):
        wid = lax.axis_index("s") * nc + lax.axis_index("c")
        for c in range(n_chunks):
            base = wid * per_w + c * chunk
            pltpu.sync_copy(idx_hbm.at[pl.ds(base, chunk)], idx_v)
            pltpu.async_copy(table_hbm.at[idx_v], rows_v, sem).wait()
            pltpu.sync_copy(rows_v, out_hbm.at[pl.ds(base, chunk)])

    return k


def _dispatch(x_flat, row_to_token):
    return _make_sc_gather(PAD, N, 128)(x_flat, row_to_token)


def _combine(ys, slot):
    return _make_sc_gather(N, PAD, 128)(ys, slot)


HH = H // 2
DH = D // 2


def _ffn_body(te_ref, tv_ref, xs_ref, wg1_ref, wg2_ref, wu1_ref, wu2_ref,
              wd1_ref, wd2_ref, out_ref):
    i = pl.program_id(0)

    @pl.when(tv_ref[i] == 1)
    def _():
        xb = xs_ref[...]
        cd = (((1,), (1,)), ((), ()))
        g1 = lax.dot_general(xb, wg1_ref[0], cd,
                             preferred_element_type=jnp.float32)
        g2 = lax.dot_general(xb, wg2_ref[0], cd,
                             preferred_element_type=jnp.float32)
        u1 = lax.dot_general(xb, wu1_ref[0], cd,
                             preferred_element_type=jnp.float32)
        u2 = lax.dot_general(xb, wu2_ref[0], cd,
                             preferred_element_type=jnp.float32)
        h1 = g1 * (1.0 / (1.0 + jnp.exp(-g1))) * u1
        h2 = g2 * (1.0 / (1.0 + jnp.exp(-g2))) * u2
        h = jnp.concatenate([h1, h2], axis=1)
        o1 = lax.dot_general(h, wd1_ref[0], cd,
                             preferred_element_type=jnp.float32)
        o2 = lax.dot_general(h, wd2_ref[0], cd,
                             preferred_element_type=jnp.float32)
        out_ref[...] = jnp.concatenate([o1, o2], axis=1)


def _ffn(tile_expert, tile_valid, xs, Wg, Wu, Wd):
    return pl.pallas_call(
        _ffn_body,
        grid_spec=pltpu.PrefetchScalarGridSpec(
            num_scalar_prefetch=2,
            grid=(MAXTILES,),
            in_specs=[
                pl.BlockSpec((T, D), lambda i, te, tv: (i, 0)),
                pl.BlockSpec((1, HH, D), lambda i, te, tv: (te[i], 0, 0)),
                pl.BlockSpec((1, HH, D), lambda i, te, tv: (te[i], 1, 0)),
                pl.BlockSpec((1, HH, D), lambda i, te, tv: (te[i], 0, 0)),
                pl.BlockSpec((1, HH, D), lambda i, te, tv: (te[i], 1, 0)),
                pl.BlockSpec((1, DH, H), lambda i, te, tv: (te[i], 0, 0)),
                pl.BlockSpec((1, DH, H), lambda i, te, tv: (te[i], 1, 0)),
            ],
            out_specs=pl.BlockSpec((T, D), lambda i, te, tv: (i, 0)),
        ),
        out_shape=jax.ShapeDtypeStruct((PAD, D), jnp.float32),
    )(tile_expert, tile_valid, xs, Wg, Wg, Wu, Wu, Wd, Wd)


def kernel(x, Wr, Wg, Wu, Wd):
    B, L, _ = x.shape
    x_flat = x.reshape(N, D)

    eidx, rank, counts = _router(x_flat, Wr)

    nt_e = (counts + T - 1) // T
    csum_nt = jnp.cumsum(nt_e)
    tile_base = csum_nt - nt_e
    padded_base = tile_base * T
    slot = padded_base[eidx] + rank
    pad_fill = (jnp.arange(PAD, dtype=jnp.int32) * 1021) % N
    row_to_token = pad_fill.at[slot].set(jnp.arange(N, dtype=jnp.int32))
    tiles = jnp.arange(MAXTILES, dtype=jnp.int32)
    tile_expert = jnp.minimum(
        jnp.searchsorted(csum_nt, tiles, side="right"), E - 1).astype(jnp.int32)
    tile_valid = (tiles < csum_nt[-1]).astype(jnp.int32)

    xs = _dispatch(x_flat, row_to_token)
    ys = _ffn(tile_expert, tile_valid, xs, Wg, Wu, Wd)
    out_flat = _combine(ys, slot.astype(jnp.int32))
    return out_flat.reshape(B, L, D)

# --- scband reference (transcript-rebuilt; emitter-appended) ---
"""Pipeline reference for scband-mo-elayer-6923487282556 (READ-ONLY COPY).

The authoritative reference and input builder live on the scoring server;
editing this copy changes nothing except your own understanding.
"""

import jax, jax.numpy as jnp
import numpy as np

D_MODEL = 768
N_EXPERTS = 16
TOP_K = 1
FFN_HIDDEN = int(D_MODEL * 1.5)


def setup_inputs(seed: int = 0) -> dict:
    key = jax.random.key(seed)
    k1, k2, k3, k4, k5 = jax.random.split(key, 5)
    x = jax.random.normal(k1, (1, 4096, D_MODEL), dtype=jnp.float32)
    Wr = jax.random.normal(k2, (N_EXPERTS, D_MODEL), dtype=jnp.float32) * (D_MODEL ** -0.5)
    Wg = jax.random.normal(k3, (N_EXPERTS, FFN_HIDDEN, D_MODEL), dtype=jnp.float32) * (D_MODEL ** -0.5)
    Wu = jax.random.normal(k4, (N_EXPERTS, FFN_HIDDEN, D_MODEL), dtype=jnp.float32) * (D_MODEL ** -0.5)
    Wd = jax.random.normal(k5, (N_EXPERTS, D_MODEL, FFN_HIDDEN), dtype=jnp.float32) * (FFN_HIDDEN ** -0.5)
    return {"x": x, "Wr": Wr, "Wg": Wg, "Wu": Wu, "Wd": Wd}


def reference(x, Wr, Wg, Wu, Wd):
    B, L, D = x.shape
    x_flat = x.reshape(-1, D)
    router_logits = x_flat @ Wr.T
    router_probs = jax.nn.softmax(router_logits, axis=-1)
    top_k_probs, top_k_indices = jax.lax.top_k(router_probs, TOP_K)
    top_k_probs = top_k_probs / jnp.sum(top_k_probs, axis=-1, keepdims=True)
    # aux load-balancing loss (computed for faithfulness; stored, not returned by fwd)
    tokens_per_expert = jnp.zeros((N_EXPERTS,), dtype=jnp.float32)
    for i in range(N_EXPERTS):
        tokens_per_expert = tokens_per_expert.at[i].set(jnp.sum((top_k_indices == i).astype(jnp.float32)))
    tokens_per_expert = tokens_per_expert / (B * L)
    avg_probs = jnp.mean(router_probs, axis=0)
    aux_loss = jnp.sum(tokens_per_expert * avg_probs) * N_EXPERTS  # noqa: F841
    output = jnp.zeros_like(x_flat)
    for k in range(TOP_K):
        expert_idx = top_k_indices[:, k]
        weight = top_k_probs[:, k][:, None]
        for i in range(N_EXPERTS):
            mask = (expert_idx == i).astype(x_flat.dtype)[:, None]
            gate = jax.nn.silu(x_flat @ Wg[i].T)
            up = x_flat @ Wu[i].T
            expert_out = (gate * up) @ Wd[i].T
            output = output + mask * weight * expert_out
    # dropout p=0.0 -> identity
    return output.reshape(B, L, D)

if __name__ == "__main__":
    import jax
    _d = setup_inputs()
    print(jax.jit(kernel)(*tuple(_d.values())))

</pallas_src>

<mosaic_0001>
#map = affine_map<(d0, d1) -> (0, 0)>
#map1 = affine_map<(d0, d1) -> (0)>
module attributes {stable_mosaic.version = 14 : i64} {
  func.func @k(%arg0: i32, %arg1: i32, %arg2: memref<8192x768xf32, #tpu.memory_space<hbm>>, %arg3: memref<4096xi32, #tpu.memory_space<hbm>>, %arg4: memref<4096x768xf32, #tpu.memory_space<hbm>>, %arg5: memref<128xi32, #tpu.memory_space<vmem>>, %arg6: memref<128x768xf32, #tpu.memory_space<vmem>>, %arg7: memref<!tpu.dma_semaphore, #tpu.memory_space<semaphore_mem>>) attributes {dimension_semantics = [#tpu.dimension_semantics<core_parallel>, #tpu.dimension_semantics<subcore_parallel>], iteration_bounds = array<i64: 2, 16>, scalar_prefetch = 0 : i64, scratch_operands = 3 : i64, tpu.core_type = #tpu.core_type<sc_vector_subcore>, window_params = [{transform_indices = #map}, {transform_indices = #map1}, {transform_indices = #map}]} {
    %mul3A = arith.constant 2 : i32
    %mul3A_0 = arith.muli %arg1, %mul3A : i32
    %add3A = arith.addi %mul3A_0, %arg0 : i32
    %mul3A_1 = arith.constant 128 : i32
    %mul3A_2 = arith.muli %add3A, %mul3A_1 : i32
    %add3A_3 = arith.constant 0 : i32
    %add3A_4 = arith.addi %mul3A_2, %add3A_3 : i32
    "tpu.region"() ({
      %run_scoped3A = tpu.sem_alloc : memref<!tpu.dma_semaphore, #tpu.memory_space<semaphore_mem>>
      %dma_start3A_9 = tpu.memref_slice %arg3[%add3A_4] : memref<4096xi32, #tpu.memory_space<hbm>> -> memref<128xi32, #tpu.memory_space<hbm>>
      %dma_start3A_10 = tpu.memref_slice %arg3[%add3A_4] : memref<4096xi32, #tpu.memory_space<hbm>> -> memref<128xi32, #tpu.memory_space<hbm>>
      tpu.enqueue_dma source(%dma_start3A_10 : memref<128xi32, #tpu.memory_space<hbm>>) target(%arg5 : memref<128xi32, #tpu.memory_space<vmem>>) target_semaphore(%run_scoped3A : memref<!tpu.dma_semaphore, #tpu.memory_space<semaphore_mem>>)
      %dma_wait3A_11 = tpu.memref_slice %arg3[%add3A_4] : memref<4096xi32, #tpu.memory_space<hbm>> -> memref<128xi32, #tpu.memory_space<hbm>>
      %dma_wait3A_12 = tpu.memref_slice %arg3[%add3A_4] : memref<4096xi32, #tpu.memory_space<hbm>> -> memref<128xi32, #tpu.memory_space<hbm>>
      tpu.wait_dma2 semaphore(%run_scoped3A : memref<!tpu.dma_semaphore, #tpu.memory_space<semaphore_mem>>) src(%dma_wait3A_12 : memref<128xi32, #tpu.memory_space<hbm>>) dst(%arg5 : memref<128xi32, #tpu.memory_space<vmem>>)
      tpu.yield
    }) : () -> ()
    %dma_start3A = arith.constant 0 : i32
    %dma_start3A_5 = arith.constant 0 : i32
    %dma_start3A_6 = tpu.memref_slice %arg2[%dma_start3A, %dma_start3A_5] : memref<8192x768xf32, #tpu.memory_space<hbm>> -> memref<8192x768xf32, #tpu.memory_space<hbm>>
    tpu.enqueue_indirect_dma source(%dma_start3A_6 : memref<8192x768xf32, #tpu.memory_space<hbm>>) target(%arg6 : memref<128x768xf32, #tpu.memory_space<vmem>>) offsets(%arg5 : memref<128xi32, #tpu.memory_space<vmem>>) semaphore(%arg7 : memref<!tpu.dma_semaphore, #tpu.memory_space<semaphore_mem>>)
    %dma_wait3A = arith.constant 0 : i32
    %dma_wait3A_7 = arith.constant 0 : i32
    %dma_wait3A_8 = tpu.memref_slice %arg2[%dma_wait3A, %dma_wait3A_7] : memref<8192x768xf32, #tpu.memory_space<hbm>> -> memref<8192x768xf32, #tpu.memory_space<hbm>>
    tpu.wait_indirect_dma semaphore(%arg7 : memref<!tpu.dma_semaphore, #tpu.memory_space<semaphore_mem>>) src(%dma_wait3A_8 : memref<8192x768xf32, #tpu.memory_space<hbm>>) dst(%arg6 : memref<128x768xf32, #tpu.memory_space<vmem>>)
    "tpu.region"() ({
      %run_scoped3A = tpu.sem_alloc : memref<!tpu.dma_semaphore, #tpu.memory_space<semaphore_mem>>
      %dma_start3A_9 = arith.constant 0 : i32
      %dma_start3A_10 = tpu.memref_slice %arg4[%add3A_4, %dma_start3A_9] : memref<4096x768xf32, #tpu.memory_space<hbm>> -> memref<128x768xf32, #tpu.memory_space<hbm>>
      %dma_start3A_11 = arith.constant 0 : i32
      %dma_start3A_12 = tpu.memref_slice %arg4[%add3A_4, %dma_start3A_11] : memref<4096x768xf32, #tpu.memory_space<hbm>> -> memref<128x768xf32, #tpu.memory_space<hbm>>
      tpu.enqueue_dma source(%arg6 : memref<128x768xf32, #tpu.memory_space<vmem>>) target(%dma_start3A_12 : memref<128x768xf32, #tpu.memory_space<hbm>>) target_semaphore(%run_scoped3A : memref<!tpu.dma_semaphore, #tpu.memory_space<semaphore_mem>>)
      %dma_wait3A_13 = arith.constant 0 : i32
      %dma_wait3A_14 = tpu.memref_slice %arg4[%add3A_4, %dma_wait3A_13] : memref<4096x768xf32, #tpu.memory_space<hbm>> -> memref<128x768xf32, #tpu.memory_space<hbm>>
      %dma_wait3A_15 = arith.constant 0 : i32
      %dma_wait3A_16 = tpu.memref_slice %arg4[%add3A_4, %dma_wait3A_15] : memref<4096x768xf32, #tpu.memory_space<hbm>> -> memref<128x768xf32, #tpu.memory_space<hbm>>
      tpu.wait_dma2 semaphore(%run_scoped3A : memref<!tpu.dma_semaphore, #tpu.memory_space<semaphore_mem>>) src(%arg6 : memref<128x768xf32, #tpu.memory_space<vmem>>) dst(%dma_wait3A_16 : memref<128x768xf32, #tpu.memory_space<hbm>>)
      tpu.yield
    }) : () -> ()
    return
  }
}

#map = affine_map<(d0, d1) -> (0, 0)>
#map1 = affine_map<(d0, d1) -> (0)>
module attributes {stable_mosaic.version = 14 : i64} {
  func.func @k(%arg0: i32, %arg1: i32, %arg2: memref<4096x768xf32, #tpu.memory_space<hbm>>, %arg3: memref<8192xi32, #tpu.memory_space<hbm>>, %arg4: memref<8192x768xf32, #tpu.memory_space<hbm>>, %arg5: memref<128xi32, #tpu.memory_space<vmem>>, %arg6: memref<128x768xf32, #tpu.memory_space<vmem>>, %arg7: memref<!tpu.dma_semaphore, #tpu.memory_space<semaphore_mem>>) attributes {dimension_semantics = [#tpu.dimension_semantics<core_parallel>, #tpu.dimension_semantics<subcore_parallel>], iteration_bounds = array<i64: 2, 16>, scalar_prefetch = 0 : i64, scratch_operands = 3 : i64, tpu.core_type = #tpu.core_type<sc_vector_subcore>, window_params = [{transform_indices = #map}, {transform_indices = #map1}, {transform_indices = #map}]} {
    %mul3A = arith.constant 2 : i32
    %mul3A_0 = arith.muli %arg1, %mul3A : i32
    %add3A = arith.addi %mul3A_0, %arg0 : i32
    %mul3A_1 = arith.constant 256 : i32
    %mul3A_2 = arith.muli %add3A, %mul3A_1 : i32
    %add3A_3 = arith.constant 0 : i32
    %add3A_4 = arith.addi %mul3A_2, %add3A_3 : i32
    "tpu.region"() ({
      %run_scoped3A = tpu.sem_alloc : memref<!tpu.dma_semaphore, #tpu.memory_space<semaphore_mem>>
      %dma_start3A_19 = tpu.memref_slice %arg3[%add3A_4] : memref<8192xi32, #tpu.memory_space<hbm>> -> memref<128xi32, #tpu.memory_space<hbm>>
      %dma_start3A_20 = tpu.memref_slice %arg3[%add3A_4] : memref<8192xi32, #tpu.memory_space<hbm>> -> memref<128xi32, #tpu.memory_space<hbm>>
      tpu.enqueue_dma source(%dma_start3A_20 : memref<128xi32, #tpu.memory_space<hbm>>) target(%arg5 : memref<128xi32, #tpu.memory_space<vmem>>) target_semaphore(%run_scoped3A : memref<!tpu.dma_semaphore, #tpu.memory_space<semaphore_mem>>)
      %dma_wait3A_21 = tpu.memref_slice %arg3[%add3A_4] : memref<8192xi32, #tpu.memory_space<hbm>> -> memref<128xi32, #tpu.memory_space<hbm>>
      %dma_wait3A_22 = tpu.memref_slice %arg3[%add3A_4] : memref<8192xi32, #tpu.memory_space<hbm>> -> memref<128xi32, #tpu.memory_space<hbm>>
      tpu.wait_dma2 semaphore(%run_scoped3A : memref<!tpu.dma_semaphore, #tpu.memory_space<semaphore_mem>>) src(%dma_wait3A_22 : memref<128xi32, #tpu.memory_space<hbm>>) dst(%arg5 : memref<128xi32, #tpu.memory_space<vmem>>)
      tpu.yield
    }) : () -> ()
    %dma_start3A = arith.constant 0 : i32
    %dma_start3A_5 = arith.constant 0 : i32
    %dma_start3A_6 = tpu.memref_slice %arg2[%dma_start3A, %dma_start3A_5] : memref<4096x768xf32, #tpu.memory_space<hbm>> -> memref<4096x768xf32, #tpu.memory_space<hbm>>
    tpu.enqueue_indirect_dma source(%dma_start3A_6 : memref<4096x768xf32, #tpu.memory_space<hbm>>) target(%arg6 : memref<128x768xf32, #tpu.memory_space<vmem>>) offsets(%arg5 : memref<128xi32, #tpu.memory_space<vmem>>) semaphore(%arg7 : memref<!tpu.dma_semaphore, #tpu.memory_space<semaphore_mem>>)
    %dma_wait3A = arith.constant 0 : i32
    %dma_wait3A_7 = arith.constant 0 : i32
    %dma_wait3A_8 = tpu.memref_slice %arg2[%dma_wait3A, %dma_wait3A_7] : memref<4096x768xf32, #tpu.memory_space<hbm>> -> memref<4096x768xf32, #tpu.memory_space<hbm>>
    tpu.wait_indirect_dma semaphore(%arg7 : memref<!tpu.dma_semaphore, #tpu.memory_space<semaphore_mem>>) src(%dma_wait3A_8 : memref<4096x768xf32, #tpu.memory_space<hbm>>) dst(%arg6 : memref<128x768xf32, #tpu.memory_space<vmem>>)
    "tpu.region"() ({
      %run_scoped3A = tpu.sem_alloc : memref<!tpu.dma_semaphore, #tpu.memory_space<semaphore_mem>>
      %dma_start3A_19 = arith.constant 0 : i32
      %dma_start3A_20 = tpu.memref_slice %arg4[%add3A_4, %dma_start3A_19] : memref<8192x768xf32, #tpu.memory_space<hbm>> -> memref<128x768xf32, #tpu.memory_space<hbm>>
      %dma_start3A_21 = arith.constant 0 : i32
      %dma_start3A_22 = tpu.memref_slice %arg4[%add3A_4, %dma_start3A_21] : memref<8192x768xf32, #tpu.memory_space<hbm>> -> memref<128x768xf32, #tpu.memory_space<hbm>>
      tpu.enqueue_dma source(%arg6 : memref<128x768xf32, #tpu.memory_space<vmem>>) target(%dma_start3A_22 : memref<128x768xf32, #tpu.memory_space<hbm>>) target_semaphore(%run_scoped3A : memref<!tpu.dma_semaphore, #tpu.memory_space<semaphore_mem>>)
      %dma_wait3A_23 = arith.constant 0 : i32
      %dma_wait3A_24 = tpu.memref_slice %arg4[%add3A_4, %dma_wait3A_23] : memref<8192x768xf32, #tpu.memory_space<hbm>> -> memref<128x768xf32, #tpu.memory_space<hbm>>
      %dma_wait3A_25 = arith.constant 0 : i32
      %dma_wait3A_26 = tpu.memref_slice %arg4[%add3A_4, %dma_wait3A_25] : memref<8192x768xf32, #tpu.memory_space<hbm>> -> memref<128x768xf32, #tpu.memory_space<hbm>>
      tpu.wait_dma2 semaphore(%run_scoped3A : memref<!tpu.dma_semaphore, #tpu.memory_space<semaphore_mem>>) src(%arg6 : memref<128x768xf32, #tpu.memory_space<vmem>>) dst(%dma_wait3A_26 : memref<128x768xf32, #tpu.memory_space<hbm>>)
      tpu.yield
    }) : () -> ()
    %mul3A_9 = arith.constant 256 : i32
    %mul3A_10 = arith.muli %add3A, %mul3A_9 : i32
    %add3A_11 = arith.constant 128 : i32
    %add3A_12 = arith.addi %mul3A_10, %add3A_11 : i32
    "tpu.region"() ({
      %run_scoped3A = tpu.sem_alloc : memref<!tpu.dma_semaphore, #tpu.memory_space<semaphore_mem>>
      %dma_start3A_19 = tpu.memref_slice %arg3[%add3A_12] : memref<8192xi32, #tpu.memory_space<hbm>> -> memref<128xi32, #tpu.memory_space<hbm>>
      %dma_start3A_20 = tpu.memref_slice %arg3[%add3A_12] : memref<8192xi32, #tpu.memory_space<hbm>> -> memref<128xi32, #tpu.memory_space<hbm>>
      tpu.enqueue_dma source(%dma_start3A_20 : memref<128xi32, #tpu.memory_space<hbm>>) target(%arg5 : memref<128xi32, #tpu.memory_space<vmem>>) target_semaphore(%run_scoped3A : memref<!tpu.dma_semaphore, #tpu.memory_space<semaphore_mem>>)
      %dma_wait3A_21 = tpu.memref_slice %arg3[%add3A_12] : memref<8192xi32, #tpu.memory_space<hbm>> -> memref<128xi32, #tpu.memory_space<hbm>>
      %dma_wait3A_22 = tpu.memref_slice %arg3[%add3A_12] : memref<8192xi32, #tpu.memory_space<hbm>> -> memref<128xi32, #tpu.memory_space<hbm>>
      tpu.wait_dma2 semaphore(%run_scoped3A : memref<!tpu.dma_semaphore, #tpu.memory_space<semaphore_mem>>) src(%dma_wait3A_22 : memref<128xi32, #tpu.memory_space<hbm>>) dst(%arg5 : memref<128xi32, #tpu.memory_space<vmem>>)
      tpu.yield
    }) : () -> ()
    %dma_start3A_13 = arith.constant 0 : i32
    %dma_start3A_14 = arith.constant 0 : i32
    %dma_start3A_15 = tpu.memref_slice %arg2[%dma_start3A_13, %dma_start3A_14] : memref<4096x768xf32, #tpu.memory_space<hbm>> -> memref<4096x768xf32, #tpu.memory_space<hbm>>
    tpu.enqueue_indirect_dma source(%dma_start3A_15 : memref<4096x768xf32, #tpu.memory_space<hbm>>) target(%arg6 : memref<128x768xf32, #tpu.memory_space<vmem>>) offsets(%arg5 : memref<128xi32, #tpu.memory_space<vmem>>) semaphore(%arg7 : memref<!tpu.dma_semaphore, #tpu.memory_space<semaphore_mem>>)
    %dma_wait3A_16 = arith.constant 0 : i32
    %dma_wait3A_17 = arith.constant 0 : i32
    %dma_wait3A_18 = tpu.memref_slice %arg2[%dma_wait3A_16, %dma_wait3A_17] : memref<4096x768xf32, #tpu.memory_space<hbm>> -> memref<4096x768xf32, #tpu.memory_space<hbm>>
    tpu.wait_indirect_dma semaphore(%arg7 : memref<!tpu.dma_semaphore, #tpu.memory_space<semaphore_mem>>) src(%dma_wait3A_18 : memref<4096x768xf32, #tpu.memory_space<hbm>>) dst(%arg6 : memref<128x768xf32, #tpu.memory_space<vmem>>)
    "tpu.region"() ({
      %run_scoped3A = tpu.sem_alloc : memref<!tpu.dma_semaphore, #tpu.memory_space<semaphore_mem>>
      %dma_start3A_19 = arith.constant 0 : i32
      %dma_start3A_20 = tpu.memref_slice %arg4[%add3A_12, %dma_start3A_19] : memref<8192x768xf32, #tpu.memory_space<hbm>> -> memref<128x768xf32, #tpu.memory_space<hbm>>
      %dma_start3A_21 = arith.constant 0 : i32
      %dma_start3A_22 = tpu.memref_slice %arg4[%add3A_12, %dma_start3A_21] : memref<8192x768xf32, #tpu.memory_space<hbm>> -> memref<128x768xf32, #tpu.memory_space<hbm>>
      tpu.enqueue_dma source(%arg6 : memref<128x768xf32, #tpu.memory_space<vmem>>) target(%dma_start3A_22 : memref<128x768xf32, #tpu.memory_space<hbm>>) target_semaphore(%run_scoped3A : memref<!tpu.dma_semaphore, #tpu.memory_space<semaphore_mem>>)
      %dma_wait3A_23 = arith.constant 0 : i32
      %dma_wait3A_24 = tpu.memref_slice %arg4[%add3A_12, %dma_wait3A_23] : memref<8192x768xf32, #tpu.memory_space<hbm>> -> memref<128x768xf32, #tpu.memory_space<hbm>>
      %dma_wait3A_25 = arith.constant 0 : i32
      %dma_wait3A_26 = tpu.memref_slice %arg4[%add3A_12, %dma_wait3A_25] : memref<8192x768xf32, #tpu.memory_space<hbm>> -> memref<128x768xf32, #tpu.memory_space<hbm>>
      tpu.wait_dma2 semaphore(%run_scoped3A : memref<!tpu.dma_semaphore, #tpu.memory_space<semaphore_mem>>) src(%arg6 : memref<128x768xf32, #tpu.memory_space<vmem>>) dst(%dma_wait3A_26 : memref<128x768xf32, #tpu.memory_space<hbm>>)
      tpu.yield
    }) : () -> ()
    return
  }
}

module attributes {stable_mosaic.version = 14 : i64} {
  func.func @_router_body(%arg0: i32, %arg1: memref<512x768xf32, #tpu.memory_space<vmem>>, %arg2: memref<16x768xf32, #tpu.memory_space<vmem>>, %arg3: memref<1x1x512xi32, #tpu.memory_space<vmem>>, %arg4: memref<1x1x512xi32, #tpu.memory_space<vmem>>, %arg5: memref<8x16xf32, #tpu.memory_space<vmem>>, %arg6: memref<8x16xf32, #tpu.memory_space<vmem>>) attributes {dimension_semantics = [#tpu.dimension_semantics<arbitrary>], iteration_bounds = array<i64: 8>, scalar_prefetch = 0 : i64, scratch_operands = 1 : i64, tpu.core_type = #tpu.core_type<tc>, window_params = [{transform_indices = @transform_0, window_bounds = array<i64: 512, 768>}, {pipeline_mode = #tpu.pipeline_mode<synchronous>, transform_indices = @transform_1, window_bounds = array<i64: 16, 768>}, {transform_indices = @transform_2, window_bounds = array<i64: 1, 1, 512>}, {transform_indices = @transform_3, window_bounds = array<i64: 1, 1, 512>}, {pipeline_mode = #tpu.pipeline_mode<synchronous>, transform_indices = @transform_4, window_bounds = array<i64: 8, 16>}]} {
    %eq3A = arith.constant 0 : i32
    %eq3A_0 = arith.cmpi eq, %arg0, %eq3A : i32
    %convert_element_type3A = arith.extui %eq3A_0 : i1 to i32
    %cond3A = arith.constant 0 : i32
    %cond3A_1 = arith.cmpi ne, %convert_element_type3A, %cond3A : i32
    scf.if %cond3A_1 {
      %broadcast_in_dim3A_50 = arith.constant 0.000000e+00 : f32
      %broadcast_in_dim3A_51 = vector.broadcast %broadcast_in_dim3A_50 : f32 to vector<8x16xf32>
      %swap3A_52 = arith.constant 0 : index
      %swap3A_53 = arith.constant 0 : index
      %swap3A_54 = vector.load %arg6[%swap3A_52, %swap3A_53] : memref<8x16xf32, #tpu.memory_space<vmem>>, vector<8x16xf32>
      tpu.vector_store %arg6[%swap3A_52, %swap3A_53], %broadcast_in_dim3A_51 {strides = array<i32>} : memref<8x16xf32, #tpu.memory_space<vmem>>, vector<8x16xf32>,
    } else {
    }
    %get3A = arith.constant 0 : index
    %get3A_2 = arith.constant 0 : index
    %get3A_3 = vector.load %arg1[%get3A, %get3A_2] : memref<512x768xf32, #tpu.memory_space<vmem>>, vector<512x768xf32>
    %get3A_4 = arith.constant 0 : index
    %get3A_5 = arith.constant 0 : index
    %get3A_6 = vector.load %arg2[%get3A_4, %get3A_5] : memref<16x768xf32, #tpu.memory_space<vmem>>, vector<16x768xf32>
    %dot_general3A = arith.constant dense<0.000000e+00> : vector<512x16xf32>
    %dot_general3A_7 = tpu.matmul %get3A_3, %get3A_6, %dot_general3A {dimension_numbers = #tpu.dot_dimension_numbers<[1], [1], [0], [0], [0, 0, 1, 0], [], []>, transpose_lhs_hint = false} : vector<512x768xf32>, vector<16x768xf32>, vector<512x16xf32> -> vector<512x16xf32>
    %iota3A = tpu.iota {dimensions = array<i32: 1>} : vector<512x16xi32>
    %reduce_max3A = arith.constant dense<0xFF800000> : vector<512xf32>
    %reduce_max3A_8 = vector.multi_reduction <maximumf>, %dot_general3A_7, %reduce_max3A [1] : vector<512x16xf32> to vector<512xf32>
    %broadcast_in_dim3A = vector.shape_cast %reduce_max3A_8 : vector<512xf32> to vector<512x1xf32>
    %ge3A = vector.broadcast %broadcast_in_dim3A : vector<512x1xf32> to vector<512x16xf32>
    %ge3A_9 = arith.cmpf oge, %dot_general3A_7, %ge3A : vector<512x16xf32>
    %jit3A = arith.constant 16 : i32
    %broadcast_in_dim3A_10 = vector.broadcast %jit3A : i32 to vector<512x16xi32>
    %select_n3A = arith.select %ge3A_9, %iota3A, %broadcast_in_dim3A_10 : vector<512x16xi1>, vector<512x16xi32>
    %reduce_min3A = arith.constant dense<2147483647> : vector<512xi32>
    %reduce_min3A_11 = vector.multi_reduction <minsi>, %select_n3A, %reduce_min3A [1] : vector<512x16xi32> to vector<512xi32>
    %broadcast_in_dim3A_12 = vector.shape_cast %reduce_min3A_11 : vector<512xi32> to vector<512x1xi32>
    %eq3A_13 = vector.broadcast %broadcast_in_dim3A_12 : vector<512x1xi32> to vector<512x16xi32>
    %eq3A_14 = arith.cmpi eq, %eq3A_13, %iota3A : vector<512x16xi32>
    %convert_element_type3A_15 = arith.extui %eq3A_14 : vector<512x16xi1> to vector<512x16xi32>
    %convert_element_type3A_16 = arith.sitofp %convert_element_type3A_15 : vector<512x16xi32> to vector<512x16xf32>
    %iota3A_17 = tpu.iota {dimensions = array<i32: 0>} : vector<512x512xi32>
    %iota3A_18 = tpu.iota {dimensions = array<i32: 1>} : vector<512x512xi32>
    %lt3A = arith.cmpi slt, %iota3A_18, %iota3A_17 : vector<512x512xi32>
    %convert_element_type3A_19 = arith.extui %lt3A : vector<512x512xi1> to vector<512x512xi32>
    %convert_element_type3A_20 = arith.sitofp %convert_element_type3A_19 : vector<512x512xi32> to vector<512x512xf32>
    %dot_general3A_21 = arith.constant dense<0.000000e+00> : vector<512x16xf32>
    %dot_general3A_22 = tpu.matmul %convert_element_type3A_20, %convert_element_type3A_16, %dot_general3A_21 {dimension_numbers = #tpu.dot_dimension_numbers<[1], [0], [0], [1], [0, 0, 1, 1], [], []>, transpose_lhs_hint = false} : vector<512x512xf32>, vector<512x16xf32>, vector<512x16xf32> -> vector<512x16xf32>
    %get3A_23 = arith.constant 0 : index
    %get3A_24 = arith.constant 0 : index
    %get3A_25 = vector.load %arg6[%get3A_23, %get3A_24] : memref<8x16xf32, #tpu.memory_space<vmem>>, vector<8x16xf32>
    %slice3A = vector.extract_strided_slice %get3A_25 {offsets = [0, 0], sizes = [1, 16], strides = [1, 1]} : vector<8x16xf32> to vector<1x16xf32>
    %broadcast_in_dim3A_26 = vector.shape_cast %slice3A : vector<1x16xf32> to vector<1x16xf32>
    %broadcast_in_dim3A_27 = vector.broadcast %broadcast_in_dim3A_26 : vector<1x16xf32> to vector<512x16xf32>
    %add3A = arith.addf %dot_general3A_22, %broadcast_in_dim3A_27 : vector<512x16xf32>
    %mul3A = arith.mulf %add3A, %convert_element_type3A_16 : vector<512x16xf32>
    %reduce_sum3A = arith.constant dense<0.000000e+00> : vector<512xf32>
    %reduce_sum3A_28 = vector.multi_reduction <add>, %mul3A, %reduce_sum3A [1] : vector<512x16xf32> to vector<512xf32>
    %reshape3A = vector.shape_cast %reduce_min3A_11 : vector<512xi32> to vector<1x1x512xi32>
    %swap3A = arith.constant 0 : index
    %swap3A_29 = arith.constant 0 : index
    %swap3A_30 = arith.constant 0 : index
    %swap3A_31 = vector.load %arg3[%swap3A, %swap3A_29, %swap3A_30] : memref<1x1x512xi32, #tpu.memory_space<vmem>>, vector<1x1x512xi32>
    tpu.vector_store %arg3[%swap3A, %swap3A_29, %swap3A_30], %reshape3A {strides = array<i32>} : memref<1x1x512xi32, #tpu.memory_space<vmem>>, vector<1x1x512xi32>,
    %convert_element_type3A_32 = arith.fptosi %reduce_sum3A_28 : vector<512xf32> to vector<512xi32>
    %reshape3A_33 = vector.shape_cast %convert_element_type3A_32 : vector<512xi32> to vector<1x1x512xi32>
    %swap3A_34 = arith.constant 0 : index
    %swap3A_35 = arith.constant 0 : index
    %swap3A_36 = arith.constant 0 : index
    %swap3A_37 = vector.load %arg4[%swap3A_34, %swap3A_35, %swap3A_36] : memref<1x1x512xi32, #tpu.memory_space<vmem>>, vector<1x1x512xi32>
    tpu.vector_store %arg4[%swap3A_34, %swap3A_35, %swap3A_36], %reshape3A_33 {strides = array<i32>} : memref<1x1x512xi32, #tpu.memory_space<vmem>>, vector<1x1x512xi32>,
    %reduce_sum3A_38 = arith.constant dense<0.000000e+00> : vector<16xf32>
    %reduce_sum3A_39 = vector.multi_reduction <add>, %convert_element_type3A_16, %reduce_sum3A_38 [0] : vector<512x16xf32> to vector<16xf32>
    %broadcast_in_dim3A_40 = vector.shape_cast %reduce_sum3A_39 : vector<16xf32> to vector<1x16xf32>
    %broadcast_in_dim3A_41 = vector.shape_cast %broadcast_in_dim3A_40 : vector<1x16xf32> to vector<1x16xf32>
    %broadcast_in_dim3A_42 = vector.broadcast %broadcast_in_dim3A_41 : vector<1x16xf32> to vector<8x16xf32>
    %add3A_43 = arith.addf %get3A_25, %broadcast_in_dim3A_42 : vector<8x16xf32>
    %swap3A_44 = arith.constant 0 : index
    %swap3A_45 = arith.constant 0 : index
    %swap3A_46 = vector.load %arg6[%swap3A_44, %swap3A_45] : memref<8x16xf32, #tpu.memory_space<vmem>>, vector<8x16xf32>
    tpu.vector_store %arg6[%swap3A_44, %swap3A_45], %add3A_43 {strides = array<i32>} : memref<8x16xf32, #tpu.memory_space<vmem>>, vector<8x16xf32>,
    %swap3A_47 = arith.constant 0 : index
    %swap3A_48 = arith.constant 0 : index
    %swap3A_49 = vector.load %arg5[%swap3A_47, %swap3A_48] : memref<8x16xf32, #tpu.memory_space<vmem>>, vector<8x16xf32>
    tpu.vector_store %arg5[%swap3A_47, %swap3A_48], %add3A_43 {strides = array<i32>} : memref<8x16xf32, #tpu.memory_space<vmem>>, vector<8x16xf32>,
    return
  }
  func.func @transform_0(%arg0: i32) -> (i32, i32) {
    %c0_i32 = arith.constant 0 : i32
    %c0_i32_0 = arith.constant 0 : i32
    return %arg0, %c0_i32 : i32, i32
  }
  func.func @transform_1(%arg0: i32) -> (i32, i32) {
    %c0_i32 = arith.constant 0 : i32
    %c0_i32_0 = arith.constant 0 : i32
    %c0_i32_1 = arith.constant 0 : i32
    return %c0_i32, %c0_i32_0 : i32, i32
  }
  func.func @transform_2(%arg0: i32) -> (i32, i32, i32) {
    %c0_i32 = arith.constant 0 : i32
    %c0_i32_0 = arith.constant 0 : i32
    %c0_i32_1 = arith.constant 0 : i32
    return %arg0, %c0_i32, %c0_i32_0 : i32, i32, i32
  }
  func.func @transform_3(%arg0: i32) -> (i32, i32, i32) {
    %c0_i32 = arith.constant 0 : i32
    %c0_i32_0 = arith.constant 0 : i32
    %c0_i32_1 = arith.constant 0 : i32
    return %arg0, %c0_i32, %c0_i32_0 : i32, i32, i32
  }
  func.func @transform_4(%arg0: i32) -> (i32, i32) {
    %c0_i32 = arith.constant 0 : i32
    %c0_i32_0 = arith.constant 0 : i32
    %c0_i32_1 = arith.constant 0 : i32
    return %c0_i32, %c0_i32_0 : i32, i32
  }
}

module attributes {stable_mosaic.version = 14 : i64} {
  func.func @_ffn_body(%arg0: i32, %arg1: memref<32xi32, #tpu.memory_space<smem>>, %arg2: memref<32xi32, #tpu.memory_space<smem>>, %arg3: memref<256x768xf32, #tpu.memory_space<vmem>>, %arg4: memref<1x576x768xf32, #tpu.memory_space<vmem>>, %arg5: memref<1x576x768xf32, #tpu.memory_space<vmem>>, %arg6: memref<1x576x768xf32, #tpu.memory_space<vmem>>, %arg7: memref<1x576x768xf32, #tpu.memory_space<vmem>>, %arg8: memref<1x384x1152xf32, #tpu.memory_space<vmem>>, %arg9: memref<1x384x1152xf32, #tpu.memory_space<vmem>>, %arg10: memref<256x768xf32, #tpu.memory_space<vmem>>) attributes {dimension_semantics = [#tpu.dimension_semantics<arbitrary>], iteration_bounds = array<i64: 32>, scalar_prefetch = 2 : i64, scratch_operands = 0 : i64, tpu.core_type = #tpu.core_type<tc>, window_params = [{transform_indices = @transform_0, window_bounds = array<i64: 256, 768>}, {transform_indices = @transform_1, window_bounds = array<i64: 1, 576, 768>}, {transform_indices = @transform_2, window_bounds = array<i64: 1, 576, 768>}, {transform_indices = @transform_3, window_bounds = array<i64: 1, 576, 768>}, {transform_indices = @transform_4, window_bounds = array<i64: 1, 576, 768>}, {transform_indices = @transform_5, window_bounds = array<i64: 1, 384, 1152>}, {transform_indices = @transform_6, window_bounds = array<i64: 1, 384, 1152>}, {transform_indices = @transform_7, window_bounds = array<i64: 256, 768>}]} {
    %get3A = arith.index_cast %arg0 : i32 to index
    %get3A_0 = memref.load %arg2[%get3A] : memref<32xi32, #tpu.memory_space<smem>>
    %eq3A = arith.constant 1 : i32
    %eq3A_1 = arith.cmpi eq, %get3A_0, %eq3A : i32
    %convert_element_type3A = arith.extui %eq3A_1 : i1 to i32
    %cond3A = arith.constant 0 : i32
    %cond3A_2 = arith.cmpi ne, %convert_element_type3A, %cond3A : i32
    scf.if %cond3A_2 {
      %get3A_3 = arith.constant 0 : index
      %get3A_4 = arith.constant 0 : index
      %get3A_5 = vector.load %arg3[%get3A_3, %get3A_4] : memref<256x768xf32, #tpu.memory_space<vmem>>, vector<256x768xf32>
      %get3A_6 = arith.constant 0 : index
      %get3A_7 = arith.constant 0 : index
      %get3A_8 = arith.constant 0 : index
      %get3A_9 = vector.load %arg4[%get3A_6, %get3A_7, %get3A_8] : memref<1x576x768xf32, #tpu.memory_space<vmem>>, vector<1x576x768xf32>
      %get3A_10 = vector.shape_cast %get3A_9 : vector<1x576x768xf32> to vector<576x768xf32>
      %dot_general3A = arith.constant dense<0.000000e+00> : vector<256x576xf32>
      %dot_general3A_11 = tpu.matmul %get3A_5, %get3A_10, %dot_general3A {dimension_numbers = #tpu.dot_dimension_numbers<[1], [1], [0], [0], [0, 0, 1, 0], [], []>, transpose_lhs_hint = false} : vector<256x768xf32>, vector<576x768xf32>, vector<256x576xf32> -> vector<256x576xf32>
      %get3A_12 = arith.constant 0 : index
      %get3A_13 = arith.constant 0 : index
      %get3A_14 = arith.constant 0 : index
      %get3A_15 = vector.load %arg5[%get3A_12, %get3A_13, %get3A_14] : memref<1x576x768xf32, #tpu.memory_space<vmem>>, vector<1x576x768xf32>
      %get3A_16 = vector.shape_cast %get3A_15 : vector<1x576x768xf32> to vector<576x768xf32>
      %dot_general3A_17 = arith.constant dense<0.000000e+00> : vector<256x576xf32>
      %dot_general3A_18 = tpu.matmul %get3A_5, %get3A_16, %dot_general3A_17 {dimension_numbers = #tpu.dot_dimension_numbers<[1], [1], [0], [0], [0, 0, 1, 0], [], []>, transpose_lhs_hint = false} : vector<256x768xf32>, vector<576x768xf32>, vector<256x576xf32> -> vector<256x576xf32>
      %get3A_19 = arith.constant 0 : index
      %get3A_20 = arith.constant 0 : index
      %get3A_21 = arith.constant 0 : index
      %get3A_22 = vector.load %arg6[%get3A_19, %get3A_20, %get3A_21] : memref<1x576x768xf32, #tpu.memory_space<vmem>>, vector<1x576x768xf32>
      %get3A_23 = vector.shape_cast %get3A_22 : vector<1x576x768xf32> to vector<576x768xf32>
      %dot_general3A_24 = arith.constant dense<0.000000e+00> : vector<256x576xf32>
      %dot_general3A_25 = tpu.matmul %get3A_5, %get3A_23, %dot_general3A_24 {dimension_numbers = #tpu.dot_dimension_numbers<[1], [1], [0], [0], [0, 0, 1, 0], [], []>, transpose_lhs_hint = false} : vector<256x768xf32>, vector<576x768xf32>, vector<256x576xf32> -> vector<256x576xf32>
      %get3A_26 = arith.constant 0 : index
      %get3A_27 = arith.constant 0 : index
      %get3A_28 = arith.constant 0 : index
      %get3A_29 = vector.load %arg7[%get3A_26, %get3A_27, %get3A_28] : memref<1x576x768xf32, #tpu.memory_space<vmem>>, vector<1x576x768xf32>
      %get3A_30 = vector.shape_cast %get3A_29 : vector<1x576x768xf32> to vector<576x768xf32>
      %dot_general3A_31 = arith.constant dense<0.000000e+00> : vector<256x576xf32>
      %dot_general3A_32 = tpu.matmul %get3A_5, %get3A_30, %dot_general3A_31 {dimension_numbers = #tpu.dot_dimension_numbers<[1], [1], [0], [0], [0, 0, 1, 0], [], []>, transpose_lhs_hint = false} : vector<256x768xf32>, vector<576x768xf32>, vector<256x576xf32> -> vector<256x576xf32>
      %neg3A = arith.constant 0.000000e+00 : f32
      %neg3A_33 = vector.broadcast %neg3A : f32 to vector<256x576xf32>
      %neg3A_34 = arith.subf %neg3A_33, %dot_general3A_11 : vector<256x576xf32>
      %exp3A = math.exp %neg3A_34 : vector<256x576xf32>
      %add3A = arith.constant 1.000000e+00 : f32
      %add3A_35 = vector.broadcast %add3A : f32 to vector<256x576xf32>
      %add3A_36 = arith.addf %add3A_35, %exp3A : vector<256x576xf32>
      %div3A = arith.constant 1.000000e+00 : f32
      %div3A_37 = vector.broadcast %div3A : f32 to vector<256x576xf32>
      %div3A_38 = arith.divf %div3A_37, %add3A_36 : vector<256x576xf32>
      %mul3A = arith.mulf %dot_general3A_11, %div3A_38 : vector<256x576xf32>
      %mul3A_39 = arith.mulf %mul3A, %dot_general3A_25 : vector<256x576xf32>
      %neg3A_40 = arith.constant 0.000000e+00 : f32
      %neg3A_41 = vector.broadcast %neg3A_40 : f32 to vector<256x576xf32>
      %neg3A_42 = arith.subf %neg3A_41, %dot_general3A_18 : vector<256x576xf32>
      %exp3A_43 = math.exp %neg3A_42 : vector<256x576xf32>
      %add3A_44 = arith.constant 1.000000e+00 : f32
      %add3A_45 = vector.broadcast %add3A_44 : f32 to vector<256x576xf32>
      %add3A_46 = arith.addf %add3A_45, %exp3A_43 : vector<256x576xf32>
      %div3A_47 = arith.constant 1.000000e+00 : f32
      %div3A_48 = vector.broadcast %div3A_47 : f32 to vector<256x576xf32>
      %div3A_49 = arith.divf %div3A_48, %add3A_46 : vector<256x576xf32>
      %mul3A_50 = arith.mulf %dot_general3A_18, %div3A_49 : vector<256x576xf32>
      %mul3A_51 = arith.mulf %mul3A_50, %dot_general3A_32 : vector<256x576xf32>
      %concatenate3A = tpu.concatenate %mul3A_39, %mul3A_51 in 1 : vector<256x576xf32>, vector<256x576xf32> -> vector<256x1152xf32>
      %get3A_52 = arith.constant 0 : index
      %get3A_53 = arith.constant 0 : index
      %get3A_54 = arith.constant 0 : index
      %get3A_55 = vector.load %arg8[%get3A_52, %get3A_53, %get3A_54] : memref<1x384x1152xf32, #tpu.memory_space<vmem>>, vector<1x384x1152xf32>
      %get3A_56 = vector.shape_cast %get3A_55 : vector<1x384x1152xf32> to vector<384x1152xf32>
      %dot_general3A_57 = arith.constant dense<0.000000e+00> : vector<256x384xf32>
      %dot_general3A_58 = tpu.matmul %concatenate3A, %get3A_56, %dot_general3A_57 {dimension_numbers = #tpu.dot_dimension_numbers<[1], [1], [0], [0], [0, 0, 1, 0], [], []>, transpose_lhs_hint = false} : vector<256x1152xf32>, vector<384x1152xf32>, vector<256x384xf32> -> vector<256x384xf32>
      %get3A_59 = arith.constant 0 : index
      %get3A_60 = arith.constant 0 : index
      %get3A_61 = arith.constant 0 : index
      %get3A_62 = vector.load %arg9[%get3A_59, %get3A_60, %get3A_61] : memref<1x384x1152xf32, #tpu.memory_space<vmem>>, vector<1x384x1152xf32>
      %get3A_63 = vector.shape_cast %get3A_62 : vector<1x384x1152xf32> to vector<384x1152xf32>
      %dot_general3A_64 = arith.constant dense<0.000000e+00> : vector<256x384xf32>
      %dot_general3A_65 = tpu.matmul %concatenate3A, %get3A_63, %dot_general3A_64 {dimension_numbers = #tpu.dot_dimension_numbers<[1], [1], [0], [0], [0, 0, 1, 0], [], []>, transpose_lhs_hint = false} : vector<256x1152xf32>, vector<384x1152xf32>, vector<256x384xf32> -> vector<256x384xf32>
      %concatenate3A_66 = tpu.concatenate %dot_general3A_58, %dot_general3A_65 in 1 : vector<256x384xf32>, vector<256x384xf32> -> vector<256x768xf32>
      %swap3A = arith.constant 0 : index
      %swap3A_67 = arith.constant 0 : index
      %swap3A_68 = vector.load %arg10[%swap3A, %swap3A_67] : memref<256x768xf32, #tpu.memory_space<vmem>>, vector<256x768xf32>
      tpu.vector_store %arg10[%swap3A, %swap3A_67], %concatenate3A_66 {strides = array<i32>} : memref<256x768xf32, #tpu.memory_space<vmem>>, vector<256x768xf32>,
    } else {
    }
    return
  }
  func.func @transform_0(%arg0: i32, %arg1: memref<32xi32, #tpu.memory_space<smem>>, %arg2: memref<32xi32, #tpu.memory_space<smem>>) -> (i32, i32) {
    %c0_i32 = arith.constant 0 : i32
    %c0_i32_0 = arith.constant 0 : i32
    return %arg0, %c0_i32 : i32, i32
  }
  func.func @transform_1(%arg0: i32, %arg1: memref<32xi32, #tpu.memory_space<smem>>, %arg2: memref<32xi32, #tpu.memory_space<smem>>) -> (i32, i32, i32) {
    %get3A = arith.index_cast %arg0 : i32 to index
    %get3A_0 = memref.load %arg1[%get3A] : memref<32xi32, #tpu.memory_space<smem>>
    %c0_i32 = arith.constant 0 : i32
    %c0_i32_1 = arith.constant 0 : i32
    %c0_i32_2 = arith.constant 0 : i32
    return %get3A_0, %c0_i32, %c0_i32_1 : i32, i32, i32
  }
  func.func @transform_2(%arg0: i32, %arg1: memref<32xi32, #tpu.memory_space<smem>>, %arg2: memref<32xi32, #tpu.memory_space<smem>>) -> (i32, i32, i32) {
    %get3A = arith.index_cast %arg0 : i32 to index
    %get3A_0 = memref.load %arg1[%get3A] : memref<32xi32, #tpu.memory_space<smem>>
    %c1_i32 = arith.constant 1 : i32
    %c0_i32 = arith.constant 0 : i32
    %c0_i32_1 = arith.constant 0 : i32
    return %get3A_0, %c1_i32, %c0_i32 : i32, i32, i32
  }
  func.func @transform_3(%arg0: i32, %arg1: memref<32xi32, #tpu.memory_space<smem>>, %arg2: memref<32xi32, #tpu.memory_space<smem>>) -> (i32, i32, i32) {
    %get3A = arith.index_cast %arg0 : i32 to index
    %get3A_0 = memref.load %arg1[%get3A] : memref<32xi32, #tpu.memory_space<smem>>
    %c0_i32 = arith.constant 0 : i32
    %c0_i32_1 = arith.constant 0 : i32
    %c0_i32_2 = arith.constant 0 : i32
    return %get3A_0, %c0_i32, %c0_i32_1 : i32, i32, i32
  }
  func.func @transform_4(%arg0: i32, %arg1: memref<32xi32, #tpu.memory_space<smem>>, %arg2: memref<32xi32, #tpu.memory_space<smem>>) -> (i32, i32, i32) {
    %get3A = arith.index_cast %arg0 : i32 to index
    %get3A_0 = memref.load %arg1[%get3A] : memref<32xi32, #tpu.memory_space<smem>>
    %c1_i32 = arith.constant 1 : i32
    %c0_i32 = arith.constant 0 : i32
    %c0_i32_1 = arith.constant 0 : i32
    return %get3A_0, %c1_i32, %c0_i32 : i32, i32, i32
  }
  func.func @transform_5(%arg0: i32, %arg1: memref<32xi32, #tpu.memory_space<smem>>, %arg2: memref<32xi32, #tpu.memory_space<smem>>) -> (i32, i32, i32) {
    %get3A = arith.index_cast %arg0 : i32 to index
    %get3A_0 = memref.load %arg1[%get3A] : memref<32xi32, #tpu.memory_space<smem>>
    %c0_i32 = arith.constant 0 : i32
    %c0_i32_1 = arith.constant 0 : i32
    %c0_i32_2 = arith.constant 0 : i32
    return %get3A_0, %c0_i32, %c0_i32_1 : i32, i32, i32
  }
  func.func @transform_6(%arg0: i32, %arg1: memref<32xi32, #tpu.memory_space<smem>>, %arg2: memref<32xi32, #tpu.memory_space<smem>>) -> (i32, i32, i32) {
    %get3A = arith.index_cast %arg0 : i32 to index
    %get3A_0 = memref.load %arg1[%get3A] : memref<32xi32, #tpu.memory_space<smem>>
    %c1_i32 = arith.constant 1 : i32
    %c0_i32 = arith.constant 0 : i32
    %c0_i32_1 = arith.constant 0 : i32
    return %get3A_0, %c1_i32, %c0_i32 : i32, i32, i32
  }
  func.func @transform_7(%arg0: i32, %arg1: memref<32xi32, #tpu.memory_space<smem>>, %arg2: memref<32xi32, #tpu.memory_space<smem>>) -> (i32, i32) {
    %c0_i32 = arith.constant 0 : i32
    %c0_i32_0 = arith.constant 0 : i32
    return %arg0, %c0_i32 : i32, i32
  }
}

</mosaic_0001>

<sc_bundles>
// kernel: kernel.6.cloned.1.call-start
scs
__scs_entry_jumppad:
0x0: {  	(pc) =	sbr.rel $0x88, $3  }
0x1: {  	(tag) =	ssettag $0x0;
	lr =	simm.s32 $0x1  }
0x2: {  	[smem:$0x3F9C] =	sst lr;
	_ =	strace $0xD0000000  }
0x3: {  	_ = 	snop  }
0x4: {  	_ = 	snop  }
0x5: {  	_ = 	snop  }
0x6: {  	_ = 	snop  }
0x7: {  	_ = 	snop  }
__scs_overlays_trampoline_lowered:
0x8: {  	[smem:$0x3FAB] =	sst s0  }
0x9: {  	[smem:$0x3FAC] =	sst s1  }
0xa: {  	[smem:$0x3FAD] =	sst s2  }
0xb: {  	[smem:$0x3FAE] =	sst s3  }
0xc: {  	[smem:$0x3FAF] =	sst s4  }
0xd: {  	[smem:$0x3FB0] =	sst s5  }
0xe: {  	[smem:$0x3FB1] =	sst s6  }
0xf: {  	[smem:$0x3FB2] =	sst s7  }
0x10: {  	[smem:$0x3FB3] =	sst s8  }
0x11: {  	[smem:$0x3FB4] =	sst s9;
	s0 =	simm.s32 @!p0 $0x0  }
0x12: {  	s1 =	sld [smem:$0x3F9A];
	s0 =	simm.s32 @p0 $0x1  }
0x13: {  	[smem:$0x3FB5] =	sst s0;
	s0 =	simm.s32 @!p1 $0x0  }
0x14: {  	s2 =	sld [smem:$0x3F99];
	s0 =	simm.s32 @p1 $0x1  }
0x15: {  	[smem:$0x3FB6] =	sst s0;
	s0 =	simm.s32 @!p2 $0x0  }
0x16: {  	s3 =	sld [smem:$0x3FDB];
	s0 =	simm.s32 @p2 $0x1  }
0x17: {  	s4 =	simm.s32 $0x1BF5;
	[smem:$0x3FB8] =	sst s0  }
0x18: {  	s0 =	sld [smem:$0x3F9B];
	_ =	swait.ge [sflag:s4], $0x0  }
0x19: {  	s7 =	sld [smem:$0x3F9C]  }
0x1a: {  	s8 =	sadd.s32 $0xFFFFE003, lr  }
0x1b: {  	s9 =	sadd.s32 $0xFFFFFEF7, lr;
	s5 =	simm.s32 $0xFFFFFFFF;
	p2 =	slt.u32 s8, $0xFFFFF086  }
0x1c: {  	p1 =	slt.u32 s9, $0xF7A;
	s5 =	simm.s32 @!p2 $0x0  }
0x1d: {  	s5 =	simm.s32 @p1 $0x1;
	p0 =	seq.s32 s7, s2  }
0x1e: {  	s7 =	smul.u32 @!p0 $0xF7A, s2;
	p2 =	seq.s32 @!p0 s5, $0x0  }
0x1f: {  	s9 =	smul.u32 $0xF7A, s1;
	s8 =	simm.s32 @!p0 $0x1BF5;
	p2 =	por !p2, p0  }
0x20: {  	[sflag:s8] =	ssyncset.s32 @!p0 $0xFFFFF086;
	s6 =	sadd.s32 @!p0 s3, s7;
	s7 =	simm.s32 @!p0 $0x108  }
0x21: {  	s3 =	sadd.s32 s3, s9;
	s6 =	sadd.s32 @!p0 $0x88, s6;
	s7 =	simm.s32 @p2 $0x1082  }
0x22: {  	[simem:s7], [sflag:s8] =	dma.local @!p0 [hbm:s6], $0xF7A  }
0x23: {  	s9 =	sor.u32 $0xD0000000, s2;
	s6 =	simm.s32 $0x108;
	_ =	swait.ge @!p0 [sflag:s8], $0x0  }
0x24: {  	s3 =	sadd.s32 $0x88, s3;
	s6 =	simm.s32 @!p1 $0x1082;
	[sflag:s4] =	ssyncset.s32 $0xFFFFF086  }
0x25: {  	[simem:s6], [sflag:s4] =	dma.local [hbm:s3], $0xF7A  }
0x26: {  	[smem:$0x3F9C] =	sst s1;
	(tag) =	ssettag s2;
	_ =	strace s9  }
0x27: {  	s1 =	sld [smem:$0x3FAC]  }
0x28: {  	s2 =	sld [smem:$0x3FAD]  }
0x29: {  	s4 =	sld [smem:$0x3FAF]  }
0x2a: {  	p0 =	seq.s32 s5, $0x0;
	s5 =	sld [smem:$0x3FB0]  }
0x2b: {  	s6 =	sld [smem:$0x3FB1]  }
0x2c: {  	s7 =	sld [smem:$0x3FB2]  }
0x2d: {  	s3 =	simm.s32 $0x108;
	s8 =	sld [smem:$0x3FB3]  }
0x2e: {  	s3 =	simm.s32 @!p0 $0x1082;
	s9 =	sld [smem:$0x3FB4]  }
0x2f: {  	lr =	sadd.s32 s0, s3;
	s0 =	sld [smem:$0x3FAB]  }
0x30: {  	s3 =	sld [smem:$0x3FAE]  }
0x31: {  	[smem:$0x3FB7] =	sst s10  }
0x32: {  	s10 =	sld [smem:$0x3FB5];
	_ =	sdelay $0x3  }
0x33: {  	p0 =	seq.s32 s10, $0x1;
	s10 =	sld [smem:$0x3FB7];
	_ =	sdelay $0x3  }
0x34: {  	[smem:$0x3FB7] =	sst s10  }
0x35: {  	s10 =	sld [smem:$0x3FB6];
	_ =	sdelay $0x3  }
0x36: {  	p1 =	seq.s32 s10, $0x1;
	s10 =	sld [smem:$0x3FB7];
	_ =	sdelay $0x3  }
0x37: {  	[smem:$0x3FB7] =	sst s10  }
0x38: {  	s10 =	sld [smem:$0x3FB8]  }
0x39: {  	_ = 	snop;
	(pc) =	sbr.ind lr, $3  }
0x3a: {  	_ = 	snop  }
0x3b: {  	_ = 	snop  }
0x3c: {  	p2 =	seq.s32 s10, $0x1;
	s10 =	sld [smem:$0x3FB7]  }
0x3d: {  	_ =	shalt  }
0x3e: {  	_ =	shalt  }
0x3f: {  	_ =	shalt  }
0x40: {  	_ =	shalt  }
0x41: {  	_ =	shalt  }
0x42: {  	_ =	shalt  }
0x43: {  	_ =	shalt  }
0x44: {  	_ =	shalt  }
0x45: {  	_ =	shalt  }
0x46: {  	_ =	shalt  }
0x47: {  	_ =	shalt  }
0x48: {  	_ =	shalt  }
0x49: {  	_ =	shalt  }
0x4a: {  	_ =	shalt  }
0x4b: {  	_ =	shalt  }
0x4c: {  	_ =	shalt  }
0x4d: {  	_ =	shalt  }
0x4e: {  	_ =	shalt  }
0x4f: {  	_ =	shalt  }
0x50: {  	_ =	shalt  }
0x51: {  	_ =	shalt  }
0x52: {  	_ =	shalt  }
0x53: {  	_ =	shalt  }
0x54: {  	_ =	shalt  }
0x55: {  	_ =	shalt  }
0x56: {  	_ =	shalt  }
0x57: {  	_ =	shalt  }
0x58: {  	_ =	shalt  }
0x59: {  	_ =	shalt  }
0x5a: {  	_ =	shalt  }
0x5b: {  	_ =	shalt  }
0x5c: {  	_ =	shalt  }
0x5d: {  	_ =	shalt  }
0x5e: {  	_ =	shalt  }
0x5f: {  	_ =	shalt  }
0x60: {  	_ =	shalt  }
0x61: {  	_ =	shalt  }
0x62: {  	_ =	shalt  }
0x63: {  	_ =	shalt  }
0x64: {  	_ =	shalt  }
0x65: {  	_ =	shalt  }
0x66: {  	_ =	shalt  }
0x67: {  	_ =	shalt  }
0x68: {  	_ =	shalt  }
0x69: {  	_ =	shalt  }
0x6a: {  	_ =	shalt  }
0x6b: {  	_ =	shalt  }
0x6c: {  	_ =	shalt  }
0x6d: {  	_ =	shalt  }
0x6e: {  	_ =	shalt  }
0x6f: {  	_ =	shalt  }
0x70: {  	_ =	shalt  }
0x71: {  	_ =	shalt  }
0x72: {  	_ =	shalt  }
0x73: {  	_ =	shalt  }
0x74: {  	_ =	shalt  }
0x75: {  	_ =	shalt  }
0x76: {  	_ =	shalt  }
0x77: {  	_ =	shalt  }
0x78: {  	_ =	shalt  }
0x79: {  	_ =	shalt  }
0x7a: {  	_ =	shalt  }
0x7b: {  	_ =	shalt  }
0x7c: {  	_ =	shalt  }
0x7d: {  	_ =	shalt  }
0x7e: {  	_ =	shalt  }
0x7f: {  	_ =	shalt  }
0x80: {  	_ =	shalt  }
0x81: {  	_ =	shalt  }
0x82: {  	_ =	shalt  }
0x83: {  	_ =	shalt  }
0x84: {  	_ =	shalt  }
0x85: {  	_ =	shalt  }
0x86: {  	_ =	shalt  }
0x87: {  	_ =	shalt  }
.Lfunc_end0:
.L_simem_size_0:
called_computation_lowered:
.L_overlay_start_0:
0x88: {  	s2 =	sld [smem:$0x3FD9]  }
0x89: {  	s3 =	sld [smem:$0x3FFE];
	_ =	sdelay $0x1  }
0x8a: {  	s1 =	srdreg.scid  }
0x8b: {  	s0 =	sand.u32 $0x1, s1  }
0x8c: {  	s17 =	sshll.u32 s0, $0xA;
	s2 =	sadd.s32 s3, s2  }
0x8d: {  	s2 =	sadd.s32 s2, s17  }
0x8e: {  	[smem:$0x3FC3] =	sst s2  }
0x8f: {  	_ = 	snop  }
0x90: {  	s2 =	sld [smem:$0x3FC9]  }
0x91: {  	s18 =	sld [smem:$0x3FD0];
	(tm) =	ssettm $0x1  }
0x92: {  	s4 =	sld [smem:$0x3FFB];
	_ =	sdelay $0x3  }
0x93: {  	_ =	strace s4  }
0x94: {  	s4 =	sld [smem:$0x3FFC];
	_ =	sdelay $0x3  }
0x95: {  	_ =	strace s4  }
0x96: {  	s4 =	sld [smem:$0x3FFD];
	_ =	sdelay $0x3  }
0x97: {  	_ =	strace s4  }
0x98: {  	_ =	strace $0x8FFFFFFF  }
0x99: {  	s19 =	sld [smem:$0x3FDB];
	_ =	sdelay $0x1  }
0x9a: {  	s5 =	simm.s32 $_scs_section_size  }
0x9b: {  	s6 =	simm.s32 $_size__tile_overlayer_lowered;
	s7 =	simm.s32 $_tile_overlayer_lowered  }
0x9c: {  	s22 =	simm.s32 $0x1BFF;
	s21 =	sshll.u32 s7, $0x1;
	s4 =	sadd.s32 s5, s19  }
0x9d: {  	s8 =	simm.s32 $0x0;
	s20 =	sshll.u32 s6, $0x1;
	s6 =	sadd.s32 s21, s4  }
0x9e: {  	[timem:s8], [sflag:s22] =	dma.local [hbm:s6], s20  }
0x9f: {  	_ =	swait.ge [sflag:s22], s20  }
0xa0: {  	s5 =	ssub.s32 $0x0, s20;
	[sflag:s22] =	ssyncset.done $0x0  }
0xa1: {  	[sflag:s22] =	ssyncadd.s32 s5;
	_ =	sdelay $0x1  }
0xa2: {  	s23 =	simm.s32 $0x1B8B  }
0xa3: {  	_ =	swait.ge [sflag:s23], $0x1  }
0xa4: {  	[sflag:s23] =	ssyncset.done $0x0  }
0xa5: {  	s25 =	simm.s32 $0x1B8E;
	s24 =	sld [smem:$0x3FFE];
	[sflag:s23] =	ssyncadd.s32 $0xFFFFFFFF  }
0xa6: {  	s26 =	simm.s32 $execute0_lowered;
	[smem:$0x3FD2] =	sst s25  }
0xa7: {  	s6 =	sshll.u32 s26, $0x1;
	_ =	strace $0x80000046;
	[dreg:$0x1] =	wrdreg $0xFFFFFFFF  }
0xa8: {  	s28 =	simm.s32 $_size_execute0_lowered;
	s4 =	sadd.s32 s4, s6;
	[dreg:$0x0] =	wrdreg $0x0  }
0xa9: {  	s6 =	sshll.u32 s28, $0x1;
	[dreg:$0x2] =	wrdreg s4  }
0xaa: {  	[dreg:$0x3] =	wrdreg s6  }
0xab: {  	[dreg:$0x4] =	wrdreg $0xC0  }
0xac: {  	_ =	task [dreg:s8], $0x5FFFF  }
0xad: {  	[dreg:$0x1] =	wrdreg $0xFFFFFFFF  }
0xae: {  	[dreg:$0x0] =	wrdreg $0x60  }
0xaf: {  	[dreg:$0x2] =	wrdreg s2  }
0xb0: {  	[dreg:$0x3] =	wrdreg s18  }
0xb1: {  	[dreg:$0x4] =	wrdreg s24  }
0xb2: {  	[dreg:$0x5] =	wrdreg $0x9  }
0xb3: {  	_ =	task.clear_ibuf [dreg:s8], $0x6FFFF;
	_ =	strace $0x90000046  }
0xb4: {  	s29 =	simm.s32 $0x9;
	_ =	strace $0x80000048  }
0xb5: {  	_ =	swait.ge [sflag:s29], $0x1  }
0xb6: {  	[sflag:s29] =	ssyncadd.s32 $0xFFFFFFFF  }
0xb7: {  	_ =	strace $0x90000048  }
0xb8: {  	_ =	sfence  }
0xb9: {  	s30 =	sld [smem:$0x0];
	_ =	sdelay $0x2  }
0xba: {  	s31 =	sshll.u32 s1, $0xD;
	s1 =	sshrl.u32 s1, $0x2  }
0xbb: {  	s3 =	sand.u32 $0x4000, s31;
	s1 =	sadd.s32 s1, s30  }
0xbc: {  	s0 =	sor.u32 s3, s0;
	s1 =	sshll.u32 s1, $0x11  }
0xbd: {  	s0 =	sor.u32 s1, s0  }
0xbe: {  	s0 =	sadd.s32 $0x8F2B, s0  }
0xbf: {  	[sflag:s0] =	ssyncadd.remote.s32 $0x1  }
0xc0: {  	_ =	sfence.sel $0xFFFF  }
0xc1: {  	[dreg:$0x0] =	wrdreg $0xFFFFFFFF;
	(pc) =	sbr.abs _section_cstart, $3  }
0xc2: {  	[dreg:$0x1] =	wrdreg $0xFFFFFFFF  }
0xc3: {  	_ =	task.clear_ibuf [dreg:s8], $0x2FFFF;
	_ =	strace $0x9FFFFFFF  }
0xc4: {  	(tm) =	ssettm $0x7FFFFFFF  }
0xc5: {  	_ =	shalt  }
tec
execute0_lowered:
.L_overlay_start_1:
0x0: {  	(tag) =	ssettag $0x1  }
0x1: {  	s1 =	rddreg [dreg:$0x0]  }
0x2: {  	s0 =	rddreg [dreg:$0x1]  }
0x3: {  	s2 =	rddreg [dreg:$0x2]  }
0x4: {  	s3 =	srdreg.scid;
	s5 =	stileid.u32;
	s10 =	simm.s32 $0x880  }
0x5: {  	s11 =	simm.s32 $0x1080;
	s12 =	simm.s32 $0x1880;
	s13 =	simm.s32 $0x2080  }
0x6: {  	s14 =	simm.s32 $0x2880;
	s15 =	simm.s32 $0x3080;
	s16 =	simm.s32 $0x3880  }
0x7: {  	s17 =	simm.s32 $0x4080;
	s18 =	simm.s32 $0x4880;
	s19 =	simm.s32 $0x5080  }
0x8: {  	s20 =	simm.s32 $0x5880;
	s21 =	simm.s32 $0x6080;
	s22 =	simm.s32 $0x6880  }
0x9: {  	s23 =	simm.s32 $0x7080;
	s28 =	simm.s32 $0x9080;
	s29 =	simm.s32 $0x9880  }
0xa: {  	s30 =	simm.s32 $0xA080;
	s31 =	simm.s32 $0xA880;
	s4 =	sand.u32 $0x1, s3  }
0xb: {  	s3 =	simm.s32 $0x0;
	s5 =	sshll.u32 s5, $0x6;
	s2 =	sadd.s32 $0x200, s2  }
0xc: {  	s6 =	sshll.u32 s4, $0x5;
	[smem:$0x7FF] =	sst s3;
	s4 =	ssub.s32 $0x2, s4  }
0xd: {  	s5 =	sor.u32 s6, s5;
	_ =	strace $0x80000047;
	s8 =	sshrl.u32 s4, $0x1  }
0xe: {  	s6 =	smul.u32 $0x300, s5;
	s7 =	sadd.s32 s0, s5;
	s5 =	sor.u32 $0x10, s5  }
0xf: {  	s25 =	ssub.s32 s4, s8;
	s4 =	sadd.s32 $0x100, s1;
	s8 =	simm.s32 $0xB880  }
0x10: {  	[dreg:$0x4] =	wrdreg s7;
	s24 =	smul.u32 $0x300, s5;
	s0 =	sadd.s32 s0, s5  }
0x11: {  	s5 =	sadd.s32 $0x200, s1;
	s6 =	sadd.s32 s2, s6;
	[dreg:$0x6] =	wrdreg s0  }
0x12: {  	v2 =	vlaneseq.u32;
	s7 =	simm.s32 $0x2;
	[dreg:$0x5] =	wrdreg s6;
	s26 =	sadd.s32 s2, s24  }
0x13: {  	vm0 =	vmmov $0xffff;
	v1 =	vshrl.u32 v2, $0x3;
	s6 =	smax.u32 s25, $0x1;
	s2 =	simm.s32 $0x1;
	s24 =	simm.s32 $0x7880  }
0x14: {  	v0 =	vand.u32 $0x7, v2;
	v2 =	vor.u32 $0x8, v2;
	v1 =	vmul.u32 $0x8, v1;
	s25 =	simm.s32 $0x8080;
	[dreg:$0x7] =	wrdreg s26;
	s26 =	simm.s32 $0x8880  }
.LBB2_1:
0x15: {  	s9 =	rddreg [dreg:$0x4]  }
0x16: {  	[tilespmem:s3], [sflag:$0x2] =	stream.linear.gather [hbm4b:s9+s3], $0x80, $0x38;
	[tilespmem:$0x18080] =	vst v63  }
0x17: {  	_ =	swait.ge [sflag:s7], $0x80  }
0x18: {  	[sflag:s7] =	ssyncset.done $0x0  }
0x19: {  	[sflag:s7] =	ssyncadd.s32 $0xFFFFFF80  }
0x1a: {  	v3 =	vld [tilespmem:$0x0];
	_ =	sdelay $0x4  }
0x1b: {  	v4 =	vshrl.u32 v3, $0x3  }
0x1c: {  	v4 =	vmul.u32 $0x30, v4  }
0x1d: {  	v3 =	vand.u32 $0x7, v3  }
0x1e: {  	v3 =	vor.u32 v3, v4  }
0x1f: {  	v4 =	vperm.xlane v3, v0;
	_ =	sdelay $0x1  }
0x20: {  	v4 =	vadd.s32 v1, v4;
	_ =	sdelay $0x3  }
0x21: {  	s0 =	simm.s32 $0x80;
	v3 =	vperm.xlane v3, v2  }
0x22: {  	[tilespmem:s0], [sflag:$0x1] =	stream.indirect_vreg.gather [hbm4b:s1+s3], $0x80, v4, vm0, $0xb8;
	[tilespmem:$0x18080] =	vst v63  }
0x23: {  	v3 =	vadd.s32 v1, v3  }
0x24: {  	[tilespmem:s10], [sflag:$0x1] =	stream.indirect_vreg.gather [hbm4b:s4+s3], $0x80, v4, vm0, $0xb8;
	[tilespmem:$0x18080] =	vst v63  }
0x25: {  	_ = 	snop  }
0x26: {  	[tilespmem:s11], [sflag:$0x1] =	stream.indirect_vreg.gather [hbm4b:s5+s3], $0x80, v4, vm0, $0xb8;
	[tilespmem:$0x18080] =	vst v63  }
0x27: {  	_ = 	snop  }
0x28: {  	[tilespmem:s12], [sflag:$0x1] =	stream.indirect_vreg.gather [hbm4b:s1+s3], $0x80, v3, vm0, $0xb8;
	[tilespmem:$0x18080] =	vst v63  }
0x29: {  	_ = 	snop  }
0x2a: {  	[tilespmem:s13], [sflag:$0x1] =	stream.indirect_vreg.gather [hbm4b:s4+s3], $0x80, v3, vm0, $0xb8;
	[tilespmem:$0x18080] =	vst v63  }
0x2b: {  	_ = 	snop  }
0x2c: {  	[tilespmem:s14], [sflag:$0x1] =	stream.indirect_vreg.gather [hbm4b:s5+s3], $0x80, v3, vm0, $0xb8;
	[tilespmem:$0x18080] =	vst v63  }
0x2d: {  	v3 =	vld [tilespmem:$0x10];
	_ =	sdelay $0x4  }
0x2e: {  	v49 =	vshrl.u32 v3, $0x3  }
0x2f: {  	v4 =	vmul.u32 $0x30, v49  }
0x30: {  	v3 =	vand.u32 $0x7, v3  }
0x31: {  	v3 =	vor.u32 v3, v4  }
0x32: {  	v4 =	vperm.xlane v3, v0;
	_ =	sdelay $0x1  }
0x33: {  	v4 =	vadd.s32 v1, v4;
	_ =	sdelay $0x3  }
0x34: {  	v3 =	vperm.xlane v3, v2  }
0x35: {  	[tilespmem:s15], [sflag:$0x1] =	stream.indirect_vreg.gather [hbm4b:s1+s3], $0x80, v4, vm0, $0xb8;
	[tilespmem:$0x18080] =	vst v63  }
0x36: {  	v3 =	vadd.s32 v1, v3  }
0x37: {  	[tilespmem:s16], [sflag:$0x1] =	stream.indirect_vreg.gather [hbm4b:s4+s3], $0x80, v4, vm0, $0xb8;
	[tilespmem:$0x18080] =	vst v63  }
0x38: {  	_ = 	snop  }
0x39: {  	[tilespmem:s17], [sflag:$0x1] =	stream.indirect_vreg.gather [hbm4b:s5+s3], $0x80, v4, vm0, $0xb8;
	[tilespmem:$0x18080] =	vst v63  }
0x3a: {  	_ = 	snop  }
0x3b: {  	[tilespmem:s18], [sflag:$0x1] =	stream.indirect_vreg.gather [hbm4b:s1+s3], $0x80, v3, vm0, $0xb8;
	[tilespmem:$0x18080] =	vst v63  }
0x3c: {  	_ = 	snop  }
0x3d: {  	[tilespmem:s19], [sflag:$0x1] =	stream.indirect_vreg.gather [hbm4b:s4+s3], $0x80, v3, vm0, $0xb8;
	[tilespmem:$0x18080] =	vst v63  }
0x3e: {  	_ = 	snop  }
0x3f: {  	[tilespmem:s20], [sflag:$0x1] =	stream.indirect_vreg.gather [hbm4b:s5+s3], $0x80, v3, vm0, $0xb8;
	[tilespmem:$0x18080] =	vst v63  }
0x40: {  	v3 =	vld [tilespmem:$0x20];
	_ =	sdelay $0x4  }
0x41: {  	v50 =	vshrl.u32 v3, $0x3  }
0x42: {  	v4 =	vmul.u32 $0x30, v50  }
0x43: {  	v3 =	vand.u32 $0x7, v3  }
0x44: {  	v3 =	vor.u32 v3, v4  }
0x45: {  	v4 =	vperm.xlane v3, v0;
	_ =	sdelay $0x1  }
0x46: {  	v4 =	vadd.s32 v1, v4;
	_ =	sdelay $0x3  }
0x47: {  	v3 =	vperm.xlane v3, v2  }
0x48: {  	[tilespmem:s21], [sflag:$0x1] =	stream.indirect_vreg.gather [hbm4b:s1+s3], $0x80, v4, vm0, $0xb8;
	[tilespmem:$0x18080] =	vst v63  }
0x49: {  	v3 =	vadd.s32 v1, v3  }
0x4a: {  	[tilespmem:s22], [sflag:$0x1] =	stream.indirect_vreg.gather [hbm4b:s4+s3], $0x80, v4, vm0, $0xb8;
	[tilespmem:$0x18080] =	vst v63  }
0x4b: {  	_ = 	snop  }
0x4c: {  	[tilespmem:s23], [sflag:$0x1] =	stream.indirect_vreg.gather [hbm4b:s5+s3], $0x80, v4, vm0, $0xb8;
	[tilespmem:$0x18080] =	vst v63  }
0x4d: {  	_ = 	snop  }
0x4e: {  	[tilespmem:s24], [sflag:$0x1] =	stream.indirect_vreg.gather [hbm4b:s1+s3], $0x80, v3, vm0, $0xb8;
	[tilespmem:$0x18080] =	vst v63  }
0x4f: {  	_ = 	snop  }
0x50: {  	[tilespmem:s25], [sflag:$0x1] =	stream.indirect_vreg.gather [hbm4b:s4+s3], $0x80, v3, vm0, $0xb8;
	[tilespmem:$0x18080] =	vst v63  }
0x51: {  	_ = 	snop  }
0x52: {  	[tilespmem:s26], [sflag:$0x1] =	stream.indirect_vreg.gather [hbm4b:s5+s3], $0x80, v3, vm0, $0xb8;
	[tilespmem:$0x18080] =	vst v63  }
0x53: {  	v3 =	vld [tilespmem:$0x30];
	_ =	sdelay $0x4  }
0x54: {  	v51 =	vshrl.u32 v3, $0x3  }
0x55: {  	v4 =	vmul.u32 $0x30, v51  }
0x56: {  	v3 =	vand.u32 $0x7, v3  }
0x57: {  	v3 =	vor.u32 v3, v4  }
0x58: {  	v4 =	vperm.xlane v3, v0;
	_ =	sdelay $0x1  }
0x59: {  	v4 =	vadd.s32 v1, v4;
	_ =	sdelay $0x3  }
0x5a: {  	v3 =	vperm.xlane v3, v2  }
0x5b: {  	[tilespmem:s28], [sflag:$0x1] =	stream.indirect_vreg.gather [hbm4b:s1+s3], $0x80, v4, vm0, $0xb8;
	[tilespmem:$0x18080] =	vst v63  }
0x5c: {  	v3 =	vadd.s32 v1, v3  }
0x5d: {  	[tilespmem:s29], [sflag:$0x1] =	stream.indirect_vreg.gather [hbm4b:s4+s3], $0x80, v4, vm0, $0xb8;
	[tilespmem:$0x18080] =	vst v63  }
0x5e: {  	_ = 	snop  }
0x5f: {  	[tilespmem:s30], [sflag:$0x1] =	stream.indirect_vreg.gather [hbm4b:s5+s3], $0x80, v4, vm0, $0xb8;
	[tilespmem:$0x18080] =	vst v63  }
0x60: {  	_ = 	snop  }
0x61: {  	[tilespmem:s31], [sflag:$0x1] =	stream.indirect_vreg.gather [hbm4b:s1+s3], $0x80, v3, vm0, $0xb8;
	[tilespmem:$0x18080] =	vst v63  }
0x62: {  	s9 =	simm.s32 $0xB080  }
0x63: {  	[tilespmem:s9], [sflag:$0x1] =	stream.indirect_vreg.gather [hbm4b:s4+s3], $0x80, v3, vm0, $0xb8;
	[tilespmem:$0x18080] =	vst v63  }
0x64: {  	_ = 	snop  }
0x65: {  	[tilespmem:s8], [sflag:$0x1] =	stream.indirect_vreg.gather [hbm4b:s5+s3], $0x80, v3, vm0, $0xb8;
	[tilespmem:$0x18080] =	vst v63  }
0x66: {  	v3 =	vld [tilespmem:$0x40];
	_ =	sdelay $0x4  }
0x67: {  	v52 =	vshrl.u32 v3, $0x3  }
0x68: {  	v4 =	vmul.u32 $0x30, v52  }
0x69: {  	v3 =	vand.u32 $0x7, v3  }
0x6a: {  	v3 =	vor.u32 v3, v4  }
0x6b: {  	v4 =	vperm.xlane v3, v0;
	_ =	sdelay $0x1  }
0x6c: {  	v4 =	vadd.s32 v1, v4;
	_ =	sdelay $0x3  }
0x6d: {  	s9 =	simm.s32 $0xC080;
	v3 =	vperm.xlane v3, v2  }
0x6e: {  	[tilespmem:s9], [sflag:$0x1] =	stream.indirect_vreg.gather [hbm4b:s1+s3], $0x80, v4, vm0, $0xb8;
	[tilespmem:$0x18080] =	vst v63  }
0x6f: {  	v3 =	vadd.s32 v1, v3;
	s9 =	simm.s32 $0xC880  }
0x70: {  	[tilespmem:s9], [sflag:$0x1] =	stream.indirect_vreg.gather [hbm4b:s4+s3], $0x80, v4, vm0, $0xb8;
	[tilespmem:$0x18080] =	vst v63  }
0x71: {  	s9 =	simm.s32 $0xD080  }
0x72: {  	[tilespmem:s9], [sflag:$0x1] =	stream.indirect_vreg.gather [hbm4b:s5+s3], $0x80, v4, vm0, $0xb8;
	[tilespmem:$0x18080] =	vst v63  }
0x73: {  	s9 =	simm.s32 $0xD880  }
0x74: {  	[tilespmem:s9], [sflag:$0x1] =	stream.indirect_vreg.gather [hbm4b:s1+s3], $0x80, v3, vm0, $0xb8;
	[tilespmem:$0x18080] =	vst v63  }
0x75: {  	s9 =	simm.s32 $0xE080  }
0x76: {  	[tilespmem:s9], [sflag:$0x1] =	stream.indirect_vreg.gather [hbm4b:s4+s3], $0x80, v3, vm0, $0xb8;
	[tilespmem:$0x18080] =	vst v63  }
0x77: {  	s9 =	simm.s32 $0xE880  }
0x78: {  	[tilespmem:s9], [sflag:$0x1] =	stream.indirect_vreg.gather [hbm4b:s5+s3], $0x80, v3, vm0, $0xb8;
	[tilespmem:$0x18080] =	vst v63  }
0x79: {  	v3 =	vld [tilespmem:$0x50];
	_ =	sdelay $0x4  }
0x7a: {  	v53 =	vshrl.u32 v3, $0x3  }
0x7b: {  	v4 =	vmul.u32 $0x30, v53  }
0x7c: {  	v3 =	vand.u32 $0x7, v3  }
0x7d: {  	v3 =	vor.u32 v3, v4  }
0x7e: {  	v4 =	vperm.xlane v3, v0;
	_ =	sdelay $0x1  }
0x7f: {  	v4 =	vadd.s32 v1, v4;
	_ =	sdelay $0x3  }
0x80: {  	s9 =	simm.s32 $0xF080;
	v3 =	vperm.xlane v3, v2  }
0x81: {  	[tilespmem:s9], [sflag:$0x1] =	stream.indirect_vreg.gather [hbm4b:s1+s3], $0x80, v4, vm0, $0xb8;
	[tilespmem:$0x18080] =	vst v63  }
0x82: {  	v3 =	vadd.s32 v1, v3;
	s9 =	simm.s32 $0xF880  }
0x83: {  	[tilespmem:s9], [sflag:$0x1] =	stream.indirect_vreg.gather [hbm4b:s4+s3], $0x80, v4, vm0, $0xb8;
	[tilespmem:$0x18080] =	vst v63  }
0x84: {  	s9 =	simm.s32 $0x10080  }
0x85: {  	[tilespmem:s9], [sflag:$0x1] =	stream.indirect_vreg.gather [hbm4b:s5+s3], $0x80, v4, vm0, $0xb8;
	[tilespmem:$0x18080] =	vst v63  }
0x86: {  	s9 =	simm.s32 $0x10880  }
0x87: {  	[tilespmem:s9], [sflag:$0x1] =	stream.indirect_vreg.gather [hbm4b:s1+s3], $0x80, v3, vm0, $0xb8;
	[tilespmem:$0x18080] =	vst v63  }
0x88: {  	s9 =	simm.s32 $0x11080  }
0x89: {  	[tilespmem:s9], [sflag:$0x1] =	stream.indirect_vreg.gather [hbm4b:s4+s3], $0x80, v3, vm0, $0xb8;
	[tilespmem:$0x18080] =	vst v63  }
0x8a: {  	s9 =	simm.s32 $0x11880  }
0x8b: {  	[tilespmem:s9], [sflag:$0x1] =	stream.indirect_vreg.gather [hbm4b:s5+s3], $0x80, v3, vm0, $0xb8;
	[tilespmem:$0x18080] =	vst v63  }
0x8c: {  	v3 =	vld [tilespmem:$0x60];
	_ =	sdelay $0x4  }
0x8d: {  	v54 =	vshrl.u32 v3, $0x3  }
0x8e: {  	v4 =	vmul.u32 $0x30, v54  }
0x8f: {  	v3 =	vand.u32 $0x7, v3  }
0x90: {  	v3 =	vor.u32 v3, v4  }
0x91: {  	v4 =	vperm.xlane v3, v0;
	_ =	sdelay $0x1  }
0x92: {  	v4 =	vadd.s32 v1, v4;
	_ =	sdelay $0x3  }
0x93: {  	s9 =	simm.s32 $0x12080;
	v3 =	vperm.xlane v3, v2  }
0x94: {  	[tilespmem:s9], [sflag:$0x1] =	stream.indirect_vreg.gather [hbm4b:s1+s3], $0x80, v4, vm0, $0xb8;
	[tilespmem:$0x18080] =	vst v63  }
0x95: {  	v3 =	vadd.s32 v1, v3;
	s9 =	simm.s32 $0x12880  }
0x96: {  	[tilespmem:s9], [sflag:$0x1] =	stream.indirect_vreg.gather [hbm4b:s4+s3], $0x80, v4, vm0, $0xb8;
	[tilespmem:$0x18080] =	vst v63  }
0x97: {  	s9 =	simm.s32 $0x13080  }
0x98: {  	[tilespmem:s9], [sflag:$0x1] =	stream.indirect_vreg.gather [hbm4b:s5+s3], $0x80, v4, vm0, $0xb8;
	[tilespmem:$0x18080] =	vst v63  }
0x99: {  	s9 =	simm.s32 $0x13880  }
0x9a: {  	[tilespmem:s9], [sflag:$0x1] =	stream.indirect_vreg.gather [hbm4b:s1+s3], $0x80, v3, vm0, $0xb8;
	[tilespmem:$0x18080] =	vst v63  }
0x9b: {  	s9 =	simm.s32 $0x14080  }
0x9c: {  	[tilespmem:s9], [sflag:$0x1] =	stream.indirect_vreg.gather [hbm4b:s4+s3], $0x80, v3, vm0, $0xb8;
	[tilespmem:$0x18080] =	vst v63  }
0x9d: {  	s9 =	simm.s32 $0x14880  }
0x9e: {  	[tilespmem:s9], [sflag:$0x1] =	stream.indirect_vreg.gather [hbm4b:s5+s3], $0x80, v3, vm0, $0xb8;
	[tilespmem:$0x18080] =	vst v63  }
0x9f: {  	v3 =	vld [tilespmem:$0x70];
	_ =	sdelay $0x4  }
0xa0: {  	v55 =	vshrl.u32 v3, $0x3  }
0xa1: {  	v4 =	vmul.u32 $0x30, v55  }
0xa2: {  	v3 =	vand.u32 $0x7, v3  }
0xa3: {  	v3 =	vor.u32 v3, v4  }
0xa4: {  	v4 =	vperm.xlane v3, v0;
	_ =	sdelay $0x1  }
0xa5: {  	v4 =	vadd.s32 v1, v4;
	_ =	sdelay $0x3  }
0xa6: {  	s9 =	simm.s32 $0x15080;
	v3 =	vperm.xlane v3, v2  }
0xa7: {  	[tilespmem:s9], [sflag:$0x1] =	stream.indirect_vreg.gather [hbm4b:s1+s3], $0x80, v4, vm0, $0xb8;
	[tilespmem:$0x18080] =	vst v63  }
0xa8: {  	v3 =	vadd.s32 v1, v3;
	s9 =	simm.s32 $0x15880  }
0xa9: {  	[tilespmem:s9], [sflag:$0x1] =	stream.indirect_vreg.gather [hbm4b:s4+s3], $0x80, v4, vm0, $0xb8;
	[tilespmem:$0x18080] =	vst v63  }
0xaa: {  	s9 =	simm.s32 $0x16080  }
0xab: {  	[tilespmem:s9], [sflag:$0x1] =	stream.indirect_vreg.gather [hbm4b:s5+s3], $0x80, v4, vm0, $0xb8;
	[tilespmem:$0x18080] =	vst v63  }
0xac: {  	s9 =	simm.s32 $0x16880  }
0xad: {  	[tilespmem:s9], [sflag:$0x1] =	stream.indirect_vreg.gather [hbm4b:s1+s3], $0x80, v3, vm0, $0xb8;
	[tilespmem:$0x18080] =	vst v63  }
0xae: {  	s9 =	simm.s32 $0x17080  }
0xaf: {  	[tilespmem:s9], [sflag:$0x1] =	stream.indirect_vreg.gather [hbm4b:s4+s3], $0x80, v3, vm0, $0xb8;
	[tilespmem:$0x18080] =	vst v63  }
0xb0: {  	s9 =	simm.s32 $0x17880  }
0xb1: {  	[tilespmem:s9], [sflag:$0x1] =	stream.indirect_vreg.gather [hbm4b:s5+s3], $0x80, v3, vm0, $0xb8;
	[tilespmem:$0x18080] =	vst v63  }
0xb2: {  	_ =	swait.ge [sflag:s2], $0x18000  }
0xb3: {  	[sflag:s2] =	ssyncset.done $0x0  }
0xb4: {  	s0 =	simm.s32 $0x80;
	s9 =	rddreg [dreg:$0x5];
	[sflag:s2] =	ssyncadd.s32 $0xFFFE8000  }
0xb5: {  	[hbm4b:s9+s3] =	stream.linear.scatter [tilespmem:s0], [sflag:$0x2], $0x18000, $0x38;
	[tilespmem:$0x18080] =	vst v63  }
0xb6: {  	_ =	swait.ge [sflag:s7], $0x18000  }
0xb7: {  	[sflag:s7] =	ssyncset.done $0x0  }
0xb8: {  	s9 =	rddreg [dreg:$0x6];
	[sflag:s7] =	ssyncadd.s32 $0xFFFE8000  }
0xb9: {  	[tilespmem:s3], [sflag:$0x2] =	stream.linear.gather [hbm4b:s9+s3], $0x80, $0x38;
	[tilespmem:$0x18080] =	vst v63  }
0xba: {  	_ =	swait.ge [sflag:s7], $0x80  }
0xbb: {  	[sflag:s7] =	ssyncset.done $0x0  }
0xbc: {  	[sflag:s7] =	ssyncadd.s32 $0xFFFFFF80  }
0xbd: {  	v3 =	vld [tilespmem:$0x0];
	_ =	sdelay $0x4  }
0xbe: {  	v56 =	vshrl.u32 v3, $0x3  }
0xbf: {  	v4 =	vmul.u32 $0x30, v56  }
0xc0: {  	v3 =	vand.u32 $0x7, v3  }
0xc1: {  	v3 =	vor.u32 v3, v4  }
0xc2: {  	v4 =	vperm.xlane v3, v0;
	_ =	sdelay $0x1  }
0xc3: {  	v4 =	vadd.s32 v1, v4;
	_ =	sdelay $0x3  }
0xc4: {  	v3 =	vperm.xlane v3, v2  }
0xc5: {  	[tilespmem:s0], [sflag:$0x1] =	stream.indirect_vreg.gather [hbm4b:s1+s3], $0x80, v4, vm0, $0xb8;
	[tilespmem:$0x18080] =	vst v63  }
0xc6: {  	v3 =	vadd.s32 v1, v3  }
0xc7: {  	[tilespmem:s10], [sflag:$0x1] =	stream.indirect_vreg.gather [hbm4b:s4+s3], $0x80, v4, vm0, $0xb8;
	[tilespmem:$0x18080] =	vst v63  }
0xc8: {  	_ = 	snop  }
0xc9: {  	[tilespmem:s11], [sflag:$0x1] =	stream.indirect_vreg.gather [hbm4b:s5+s3], $0x80, v4, vm0, $0xb8;
	[tilespmem:$0x18080] =	vst v63  }
0xca: {  	_ = 	snop  }
0xcb: {  	[tilespmem:s12], [sflag:$0x1] =	stream.indirect_vreg.gather [hbm4b:s1+s3], $0x80, v3, vm0, $0xb8;
	[tilespmem:$0x18080] =	vst v63  }
0xcc: {  	_ = 	snop  }
0xcd: {  	[tilespmem:s13], [sflag:$0x1] =	stream.indirect_vreg.gather [hbm4b:s4+s3], $0x80, v3, vm0, $0xb8;
	[tilespmem:$0x18080] =	vst v63  }
0xce: {  	_ = 	snop  }
0xcf: {  	[tilespmem:s14], [sflag:$0x1] =	stream.indirect_vreg.gather [hbm4b:s5+s3], $0x80, v3, vm0, $0xb8;
	[tilespmem:$0x18080] =	vst v63  }
0xd0: {  	v3 =	vld [tilespmem:$0x10];
	_ =	sdelay $0x4  }
0xd1: {  	v57 =	vshrl.u32 v3, $0x3  }
0xd2: {  	v4 =	vmul.u32 $0x30, v57  }
0xd3: {  	v3 =	vand.u32 $0x7, v3  }
0xd4: {  	v3 =	vor.u32 v3, v4  }
0xd5: {  	v4 =	vperm.xlane v3, v0;
	_ =	sdelay $0x1  }
0xd6: {  	v4 =	vadd.s32 v1, v4;
	_ =	sdelay $0x3  }
0xd7: {  	v3 =	vperm.xlane v3, v2  }
0xd8: {  	[tilespmem:s15], [sflag:$0x1] =	stream.indirect_vreg.gather [hbm4b:s1+s3], $0x80, v4, vm0, $0xb8;
	[tilespmem:$0x18080] =	vst v63  }
0xd9: {  	v3 =	vadd.s32 v1, v3  }
0xda: {  	[tilespmem:s16], [sflag:$0x1] =	stream.indirect_vreg.gather [hbm4b:s4+s3], $0x80, v4, vm0, $0xb8;
	[tilespmem:$0x18080] =	vst v63  }
0xdb: {  	_ = 	snop  }
0xdc: {  	[tilespmem:s17], [sflag:$0x1] =	stream.indirect_vreg.gather [hbm4b:s5+s3], $0x80, v4, vm0, $0xb8;
	[tilespmem:$0x18080] =	vst v63  }
0xdd: {  	_ = 	snop  }
0xde: {  	[tilespmem:s18], [sflag:$0x1] =	stream.indirect_vreg.gather [hbm4b:s1+s3], $0x80, v3, vm0, $0xb8;
	[tilespmem:$0x18080] =	vst v63  }
0xdf: {  	_ = 	snop  }
0xe0: {  	[tilespmem:s19], [sflag:$0x1] =	stream.indirect_vreg.gather [hbm4b:s4+s3], $0x80, v3, vm0, $0xb8;
	[tilespmem:$0x18080] =	vst v63  }
0xe1: {  	_ = 	snop  }
0xe2: {  	[tilespmem:s20], [sflag:$0x1] =	stream.indirect_vreg.gather [hbm4b:s5+s3], $0x80, v3, vm0, $0xb8;
	[tilespmem:$0x18080] =	vst v63  }
0xe3: {  	v3 =	vld [tilespmem:$0x20];
	_ =	sdelay $0x4  }
0xe4: {  	v58 =	vshrl.u32 v3, $0x3  }
0xe5: {  	v4 =	vmul.u32 $0x30, v58  }
0xe6: {  	v3 =	vand.u32 $0x7, v3  }
0xe7: {  	v3 =	vor.u32 v3, v4  }
0xe8: {  	v4 =	vperm.xlane v3, v0;
	_ =	sdelay $0x1  }
0xe9: {  	v4 =	vadd.s32 v1, v4;
	_ =	sdelay $0x3  }
0xea: {  	v3 =	vperm.xlane v3, v2  }
0xeb: {  	[tilespmem:s21], [sflag:$0x1] =	stream.indirect_vreg.gather [hbm4b:s1+s3], $0x80, v4, vm0, $0xb8;
	[tilespmem:$0x18080] =	vst v63  }
0xec: {  	v3 =	vadd.s32 v1, v3  }
0xed: {  	[tilespmem:s22], [sflag:$0x1] =	stream.indirect_vreg.gather [hbm4b:s4+s3], $0x80, v4, vm0, $0xb8;
	[tilespmem:$0x18080] =	vst v63  }
0xee: {  	_ = 	snop  }
0xef: {  	[tilespmem:s23], [sflag:$0x1] =	stream.indirect_vreg.gather [hbm4b:s5+s3], $0x80, v4, vm0, $0xb8;
	[tilespmem:$0x18080] =	vst v63  }
0xf0: {  	_ = 	snop  }
0xf1: {  	[tilespmem:s24], [sflag:$0x1] =	stream.indirect_vreg.gather [hbm4b:s1+s3], $0x80, v3, vm0, $0xb8;
	[tilespmem:$0x18080] =	vst v63  }
0xf2: {  	_ = 	snop  }
0xf3: {  	[tilespmem:s25], [sflag:$0x1] =	stream.indirect_vreg.gather [hbm4b:s4+s3], $0x80, v3, vm0, $0xb8;
	[tilespmem:$0x18080] =	vst v63  }
0xf4: {  	_ = 	snop  }
0xf5: {  	[tilespmem:s26], [sflag:$0x1] =	stream.indirect_vreg.gather [hbm4b:s5+s3], $0x80, v3, vm0, $0xb8;
	[tilespmem:$0x18080] =	vst v63  }
0xf6: {  	v3 =	vld [tilespmem:$0x30];
	_ =	sdelay $0x4  }
0xf7: {  	v59 =	vshrl.u32 v3, $0x3  }
0xf8: {  	v4 =	vmul.u32 $0x30, v59  }
0xf9: {  	v3 =	vand.u32 $0x7, v3  }
0xfa: {  	v3 =	vor.u32 v3, v4  }
0xfb: {  	v4 =	vperm.xlane v3, v0;
	_ =	sdelay $0x1  }
0xfc: {  	v4 =	vadd.s32 v1, v4;
	_ =	sdelay $0x3  }
0xfd: {  	v3 =	vperm.xlane v3, v2  }
0xfe: {  	[tilespmem:s28], [sflag:$0x1] =	stream.indirect_vreg.gather [hbm4b:s1+s3], $0x80, v4, vm0, $0xb8;
	[tilespmem:$0x18080] =	vst v63  }
0xff: {  	v3 =	vadd.s32 v1, v3  }
0x100: {  	[tilespmem:s29], [sflag:$0x1] =	stream.indirect_vreg.gather [hbm4b:s4+s3], $0x80, v4, vm0, $0xb8;
	[tilespmem:$0x18080] =	vst v63  }
0x101: {  	_ = 	snop  }
0x102: {  	[tilespmem:s30], [sflag:$0x1] =	stream.indirect_vreg.gather [hbm4b:s5+s3], $0x80, v4, vm0, $0xb8;
	[tilespmem:$0x18080] =	vst v63  }
0x103: {  	_ = 	snop  }
0x104: {  	[tilespmem:s31], [sflag:$0x1] =	stream.indirect_vreg.gather [hbm4b:s1+s3], $0x80, v3, vm0, $0xb8;
	[tilespmem:$0x18080] =	vst v63  }
0x105: {  	s9 =	simm.s32 $0xB080  }
0x106: {  	[tilespmem:s9], [sflag:$0x1] =	stream.indirect_vreg.gather [hbm4b:s4+s3], $0x80, v3, vm0, $0xb8;
	[tilespmem:$0x18080] =	vst v63  }
0x107: {  	_ = 	snop  }
0x108: {  	[tilespmem:s8], [sflag:$0x1] =	stream.indirect_vreg.gather [hbm4b:s5+s3], $0x80, v3, vm0, $0xb8;
	[tilespmem:$0x18080] =	vst v63  }
0x109: {  	v3 =	vld [tilespmem:$0x40];
	_ =	sdelay $0x4  }
0x10a: {  	v60 =	vshrl.u32 v3, $0x3  }
0x10b: {  	v4 =	vmul.u32 $0x30, v60  }
0x10c: {  	v3 =	vand.u32 $0x7, v3  }
0x10d: {  	v3 =	vor.u32 v3, v4  }
0x10e: {  	v4 =	vperm.xlane v3, v0;
	_ =	sdelay $0x1  }
0x10f: {  	v4 =	vadd.s32 v1, v4;
	_ =	sdelay $0x3  }
0x110: {  	s9 =	simm.s32 $0xC080;
	v3 =	vperm.xlane v3, v2  }
0x111: {  	[tilespmem:s9], [sflag:$0x1] =	stream.indirect_vreg.gather [hbm4b:s1+s3], $0x80, v4, vm0, $0xb8;
	[tilespmem:$0x18080] =	vst v63  }
0x112: {  	v3 =	vadd.s32 v1, v3;
	s9 =	simm.s32 $0xC880  }
0x113: {  	[tilespmem:s9], [sflag:$0x1] =	stream.indirect_vreg.gather [hbm4b:s4+s3], $0x80, v4, vm0, $0xb8;
	[tilespmem:$0x18080] =	vst v63  }
0x114: {  	s9 =	simm.s32 $0xD080  }
0x115: {  	[tilespmem:s9], [sflag:$0x1] =	stream.indirect_vreg.gather [hbm4b:s5+s3], $0x80, v4, vm0, $0xb8;
	[tilespmem:$0x18080] =	vst v63  }
0x116: {  	s9 =	simm.s32 $0xD880  }
0x117: {  	[tilespmem:s9], [sflag:$0x1] =	stream.indirect_vreg.gather [hbm4b:s1+s3], $0x80, v3, vm0, $0xb8;
	[tilespmem:$0x18080] =	vst v63  }
0x118: {  	s9 =	simm.s32 $0xE080  }
0x119: {  	[tilespmem:s9], [sflag:$0x1] =	stream.indirect_vreg.gather [hbm4b:s4+s3], $0x80, v3, vm0, $0xb8;
	[tilespmem:$0x18080] =	vst v63  }
0x11a: {  	s9 =	simm.s32 $0xE880  }
0x11b: {  	[tilespmem:s9], [sflag:$0x1] =	stream.indirect_vreg.gather [hbm4b:s5+s3], $0x80, v3, vm0, $0xb8;
	[tilespmem:$0x18080] =	vst v63  }
0x11c: {  	v3 =	vld [tilespmem:$0x50];
	_ =	sdelay $0x4  }
0x11d: {  	v61 =	vshrl.u32 v3, $0x3  }
0x11e: {  	v4 =	vmul.u32 $0x30, v61  }
0x11f: {  	v3 =	vand.u32 $0x7, v3  }
0x120: {  	v3 =	vor.u32 v3, v4  }
0x121: {  	v4 =	vperm.xlane v3, v0;
	_ =	sdelay $0x1  }
0x122: {  	v4 =	vadd.s32 v1, v4;
	_ =	sdelay $0x3  }
0x123: {  	s9 =	simm.s32 $0xF080;
	v3 =	vperm.xlane v3, v2  }
0x124: {  	[tilespmem:s9], [sflag:$0x1] =	stream.indirect_vreg.gather [hbm4b:s1+s3], $0x80, v4, vm0, $0xb8;
	[tilespmem:$0x18080] =	vst v63  }
0x125: {  	v3 =	vadd.s32 v1, v3;
	s9 =	simm.s32 $0xF880  }
0x126: {  	[tilespmem:s9], [sflag:$0x1] =	stream.indirect_vreg.gather [hbm4b:s4+s3], $0x80, v4, vm0, $0xb8;
	[tilespmem:$0x18080] =	vst v63  }
0x127: {  	s9 =	simm.s32 $0x10080  }
0x128: {  	[tilespmem:s9], [sflag:$0x1] =	stream.indirect_vreg.gather [hbm4b:s5+s3], $0x80, v4, vm0, $0xb8;
	[tilespmem:$0x18080] =	vst v63  }
0x129: {  	s9 =	simm.s32 $0x10880  }
0x12a: {  	[tilespmem:s9], [sflag:$0x1] =	stream.indirect_vreg.gather [hbm4b:s1+s3], $0x80, v3, vm0, $0xb8;
	[tilespmem:$0x18080] =	vst v63  }
0x12b: {  	s9 =	simm.s32 $0x11080  }
0x12c: {  	[tilespmem:s9], [sflag:$0x1] =	stream.indirect_vreg.gather [hbm4b:s4+s3], $0x80, v3, vm0, $0xb8;
	[tilespmem:$0x18080] =	vst v63  }
0x12d: {  	s9 =	simm.s32 $0x11880  }
0x12e: {  	[tilespmem:s9], [sflag:$0x1] =	stream.indirect_vreg.gather [hbm4b:s5+s3], $0x80, v3, vm0, $0xb8;
	[tilespmem:$0x18080] =	vst v63  }
0x12f: {  	v3 =	vld [tilespmem:$0x60];
	_ =	sdelay $0x4  }
0x130: {  	v62 =	vshrl.u32 v3, $0x3  }
0x131: {  	v4 =	vmul.u32 $0x30, v62  }
0x132: {  	v3 =	vand.u32 $0x7, v3  }
0x133: {  	v3 =	vor.u32 v3, v4  }
0x134: {  	v4 =	vperm.xlane v3, v0;
	_ =	sdelay $0x1  }
0x135: {  	v4 =	vadd.s32 v1, v4;
	_ =	sdelay $0x3  }
0x136: {  	s9 =	simm.s32 $0x12080;
	v3 =	vperm.xlane v3, v2  }
0x137: {  	[tilespmem:s9], [sflag:$0x1] =	stream.indirect_vreg.gather [hbm4b:s1+s3], $0x80, v4, vm0, $0xb8;
	[tilespmem:$0x18080] =	vst v63  }
0x138: {  	v3 =	vadd.s32 v1, v3;
	s9 =	simm.s32 $0x12880  }
0x139: {  	[tilespmem:s9], [sflag:$0x1] =	stream.indirect_vreg.gather [hbm4b:s4+s3], $0x80, v4, vm0, $0xb8;
	[tilespmem:$0x18080] =	vst v63  }
0x13a: {  	s9 =	simm.s32 $0x13080  }
0x13b: {  	[tilespmem:s9], [sflag:$0x1] =	stream.indirect_vreg.gather [hbm4b:s5+s3], $0x80, v4, vm0, $0xb8;
	[tilespmem:$0x18080] =	vst v63  }
0x13c: {  	s9 =	simm.s32 $0x13880  }
0x13d: {  	[tilespmem:s9], [sflag:$0x1] =	stream.indirect_vreg.gather [hbm4b:s1+s3], $0x80, v3, vm0, $0xb8;
	[tilespmem:$0x18080] =	vst v63  }
0x13e: {  	s9 =	simm.s32 $0x14080  }
0x13f: {  	[tilespmem:s9], [sflag:$0x1] =	stream.indirect_vreg.gather [hbm4b:s4+s3], $0x80, v3, vm0, $0xb8;
	[tilespmem:$0x18080] =	vst v63  }
0x140: {  	s9 =	simm.s32 $0x14880  }
0x141: {  	[tilespmem:s9], [sflag:$0x1] =	stream.indirect_vreg.gather [hbm4b:s5+s3], $0x80, v3, vm0, $0xb8;
	[tilespmem:$0x18080] =	vst v63  }
0x142: {  	v3 =	vld [tilespmem:$0x70];
	_ =	sdelay $0x4  }
0x143: {  	v63 =	vshrl.u32 v3, $0x3  }
0x144: {  	v4 =	vmul.u32 $0x30, v63  }
0x145: {  	v3 =	vand.u32 $0x7, v3  }
0x146: {  	v3 =	vor.u32 v3, v4  }
0x147: {  	v4 =	vperm.xlane v3, v0;
	_ =	sdelay $0x1  }
0x148: {  	v4 =	vadd.s32 v1, v4;
	_ =	sdelay $0x3  }
0x149: {  	s9 =	simm.s32 $0x15080;
	v3 =	vperm.xlane v3, v2  }
0x14a: {  	[tilespmem:s9], [sflag:$0x1] =	stream.indirect_vreg.gather [hbm4b:s1+s3], $0x80, v4, vm0, $0xb8;
	[tilespmem:$0x18080] =	vst v63  }
0x14b: {  	v3 =	vadd.s32 v1, v3;
	s9 =	simm.s32 $0x15880  }
0x14c: {  	[tilespmem:s9], [sflag:$0x1] =	stream.indirect_vreg.gather [hbm4b:s4+s3], $0x80, v4, vm0, $0xb8;
	[tilespmem:$0x18080] =	vst v63  }
0x14d: {  	s9 =	simm.s32 $0x16080  }
0x14e: {  	[tilespmem:s9], [sflag:$0x1] =	stream.indirect_vreg.gather [hbm4b:s5+s3], $0x80, v4, vm0, $0xb8;
	[tilespmem:$0x18080] =	vst v63  }
0x14f: {  	s9 =	simm.s32 $0x16880  }
0x150: {  	[tilespmem:s9], [sflag:$0x1] =	stream.indirect_vreg.gather [hbm4b:s1+s3], $0x80, v3, vm0, $0xb8;
	[tilespmem:$0x18080] =	vst v63  }
0x151: {  	s9 =	simm.s32 $0x17080  }
0x152: {  	[tilespmem:s9], [sflag:$0x1] =	stream.indirect_vreg.gather [hbm4b:s4+s3], $0x80, v3, vm0, $0xb8;
	[tilespmem:$0x18080] =	vst v63  }
0x153: {  	s9 =	simm.s32 $0x17880  }
0x154: {  	[tilespmem:s9], [sflag:$0x1] =	stream.indirect_vreg.gather [hbm4b:s5+s3], $0x80, v3, vm0, $0xb8;
	[tilespmem:$0x18080] =	vst v63  }
0x155: {  	_ =	swait.ge [sflag:s2], $0x18000  }
0x156: {  	p0 =	sne.s32 s6, $0x1;
	s0 =	simm.s32 $0x80;
	[sflag:s2] =	ssyncset.done $0x0  }
.Ltmp0:
0x157: {  	s9 =	rddreg [dreg:$0x7];
	[sflag:s2] =	ssyncadd.s32 $0xFFFE8000;
	(pc) =	sbr.rel @p0 .LBB2_1-.Ltmp0, $4  }
0x158: {  	[hbm4b:s9+s3] =	stream.linear.scatter [tilespmem:s0], [sflag:$0x2], $0x18000, $0x38;
	[tilespmem:$0x18080] =	vst v63  }
0x159: {  	_ =	swait.ge [sflag:s7], $0x18000  }
0x15a: {  	[sflag:s7] =	ssyncset.done $0x0  }
0x15b: {  	s6 =	sadd.s32 $0xFFFFFFFF, s6;
	[sflag:s7] =	ssyncadd.s32 $0xFFFE8000  }
0x15c: {  	_ =	sfence.sel $0x180000  }
0x15d: {  	[bflag:$0x0] =	sbarrier.arrive $0xFFFF  }
0x15e: {  	_ =	strace $0x90000047  }
0x15f: {  	s0 =	stileid.u32;
	[bflag:$0x2] =	sbarrier.arrive $0xFFFF  }
0x160: {  	p0 =	sne.s32 s0, $0x0;
	s0 =	rddreg [dreg:$0x3]  }
0x161: {  	s0 =	sadd.s32 @!p0 $0x100000, s0  }
0x162: {  	[sflag:s0] =	ssyncadd.tile.s32 @!p0 $0x1;
	_ =	shalt  }
.Lfunc_end2:
_tile_overlayer_lowered:
.L_overlay_start_2:
0x163: {  	(tag) =	ssettag $0x2  }
0x164: {  	s0 =	rddreg [dreg:$0x0];
	s2 =	stileid.u32  }
0x165: {  	s1 =	rddreg [dreg:$0x1];
	p0 =	sne.s32 s2, $0x0  }
0x166: {  	s3 =	rddreg [dreg:$0x2];
	[bflag:$0x3] =	sbarrier.arrive $0xFFFF;
	s2 =	simm.s32 @!p0 $0x1C02  }
0x167: {  	[timem:s3], [sflag:s2] =	dma.local @!p0 [hbm:s0], s1  }
0x168: {  	s0 =	simm.s32 @!p0 $0x2  }
0x169: {  	_ =	swait.ge @!p0 [sflag:s0], s1  }
0x16a: {  	s1 =	ssub.s32 @!p0 $0x0, s1;
	[sflag:s0] =	ssyncset.done @!p0 $0x0  }
0x16b: {  	[sflag:s0] =	ssyncadd.s32 @!p0 s1  }
0x16c: {  	[bflag:$0x3] =	sbarrier.arrive $0xFFFF  }
0x16d: {  	_ =	shalt  }

// kernel: kernel.9.cloned.1.call-start
scs
__scs_entry_jumppad:
0x0: {  	(pc) =	sbr.rel $0x88, $3  }
0x1: {  	(tag) =	ssettag $0x0;
	lr =	simm.s32 $0x1  }
0x2: {  	[smem:$0x3F9C] =	sst lr;
	_ =	strace $0xD0000000  }
0x3: {  	_ = 	snop  }
0x4: {  	_ = 	snop  }
0x5: {  	_ = 	snop  }
0x6: {  	_ = 	snop  }
0x7: {  	_ = 	snop  }
__scs_overlays_trampoline_lowered:
0x8: {  	[smem:$0x3FAB] =	sst s0  }
0x9: {  	[smem:$0x3FAC] =	sst s1  }
0xa: {  	[smem:$0x3FAD] =	sst s2  }
0xb: {  	[smem:$0x3FAE] =	sst s3  }
0xc: {  	[smem:$0x3FAF] =	sst s4  }
0xd: {  	[smem:$0x3FB0] =	sst s5  }
0xe: {  	[smem:$0x3FB1] =	sst s6  }
0xf: {  	[smem:$0x3FB2] =	sst s7  }
0x10: {  	[smem:$0x3FB3] =	sst s8  }
0x11: {  	[smem:$0x3FB4] =	sst s9;
	s0 =	simm.s32 @!p0 $0x0  }
0x12: {  	s1 =	sld [smem:$0x3F9A];
	s0 =	simm.s32 @p0 $0x1  }
0x13: {  	[smem:$0x3FB5] =	sst s0;
	s0 =	simm.s32 @!p1 $0x0  }
0x14: {  	s2 =	sld [smem:$0x3F99];
	s0 =	simm.s32 @p1 $0x1  }
0x15: {  	[smem:$0x3FB6] =	sst s0;
	s0 =	simm.s32 @!p2 $0x0  }
0x16: {  	s3 =	sld [smem:$0x3FDB];
	s0 =	simm.s32 @p2 $0x1  }
0x17: {  	s4 =	simm.s32 $0x1BF5;
	[smem:$0x3FB8] =	sst s0  }
0x18: {  	s0 =	sld [smem:$0x3F9B];
	_ =	swait.ge [sflag:s4], $0x0  }
0x19: {  	s7 =	sld [smem:$0x3F9C]  }
0x1a: {  	s8 =	sadd.s32 $0xFFFFE003, lr  }
0x1b: {  	s9 =	sadd.s32 $0xFFFFFEF7, lr;
	s5 =	simm.s32 $0xFFFFFFFF;
	p2 =	slt.u32 s8, $0xFFFFF086  }
0x1c: {  	p1 =	slt.u32 s9, $0xF7A;
	s5 =	simm.s32 @!p2 $0x0  }
0x1d: {  	s5 =	simm.s32 @p1 $0x1;
	p0 =	seq.s32 s7, s2  }
0x1e: {  	s7 =	smul.u32 @!p0 $0xF7A, s2;
	p2 =	seq.s32 @!p0 s5, $0x0  }
0x1f: {  	s9 =	smul.u32 $0xF7A, s1;
	s8 =	simm.s32 @!p0 $0x1BF5;
	p2 =	por !p2, p0  }
0x20: {  	[sflag:s8] =	ssyncset.s32 @!p0 $0xFFFFF086;
	s6 =	sadd.s32 @!p0 s3, s7;
	s7 =	simm.s32 @!p0 $0x108  }
0x21: {  	s3 =	sadd.s32 s3, s9;
	s6 =	sadd.s32 @!p0 $0x88, s6;
	s7 =	simm.s32 @p2 $0x1082  }
0x22: {  	[simem:s7], [sflag:s8] =	dma.local @!p0 [hbm:s6], $0xF7A  }
0x23: {  	s9 =	sor.u32 $0xD0000000, s2;
	s6 =	simm.s32 $0x108;
	_ =	swait.ge @!p0 [sflag:s8], $0x0  }
0x24: {  	s3 =	sadd.s32 $0x88, s3;
	s6 =	simm.s32 @!p1 $0x1082;
	[sflag:s4] =	ssyncset.s32 $0xFFFFF086  }
0x25: {  	[simem:s6], [sflag:s4] =	dma.local [hbm:s3], $0xF7A  }
0x26: {  	[smem:$0x3F9C] =	sst s1;
	(tag) =	ssettag s2;
	_ =	strace s9  }
0x27: {  	s1 =	sld [smem:$0x3FAC]  }
0x28: {  	s2 =	sld [smem:$0x3FAD]  }
0x29: {  	s4 =	sld [smem:$0x3FAF]  }
0x2a: {  	p0 =	seq.s32 s5, $0x0;
	s5 =	sld [smem:$0x3FB0]  }
0x2b: {  	s6 =	sld [smem:$0x3FB1]  }
0x2c: {  	s7 =	sld [smem:$0x3FB2]  }
0x2d: {  	s3 =	simm.s32 $0x108;
	s8 =	sld [smem:$0x3FB3]  }
0x2e: {  	s3 =	simm.s32 @!p0 $0x1082;
	s9 =	sld [smem:$0x3FB4]  }
0x2f: {  	lr =	sadd.s32 s0, s3;
	s0 =	sld [smem:$0x3FAB]  }
0x30: {  	s3 =	sld [smem:$0x3FAE]  }
0x31: {  	[smem:$0x3FB7] =	sst s10  }
0x32: {  	s10 =	sld [smem:$0x3FB5];
	_ =	sdelay $0x3  }
0x33: {  	p0 =	seq.s32 s10, $0x1;
	s10 =	sld [smem:$0x3FB7];
	_ =	sdelay $0x3  }
0x34: {  	[smem:$0x3FB7] =	sst s10  }
0x35: {  	s10 =	sld [smem:$0x3FB6];
	_ =	sdelay $0x3  }
0x36: {  	p1 =	seq.s32 s10, $0x1;
	s10 =	sld [smem:$0x3FB7];
	_ =	sdelay $0x3  }
0x37: {  	[smem:$0x3FB7] =	sst s10  }
0x38: {  	s10 =	sld [smem:$0x3FB8]  }
0x39: {  	_ = 	snop;
	(pc) =	sbr.ind lr, $3  }
0x3a: {  	_ = 	snop  }
0x3b: {  	_ = 	snop  }
0x3c: {  	p2 =	seq.s32 s10, $0x1;
	s10 =	sld [smem:$0x3FB7]  }
0x3d: {  	_ =	shalt  }
0x3e: {  	_ =	shalt  }
0x3f: {  	_ =	shalt  }
0x40: {  	_ =	shalt  }
0x41: {  	_ =	shalt  }
0x42: {  	_ =	shalt  }
0x43: {  	_ =	shalt  }
0x44: {  	_ =	shalt  }
0x45: {  	_ =	shalt  }
0x46: {  	_ =	shalt  }
0x47: {  	_ =	shalt  }
0x48: {  	_ =	shalt  }
0x49: {  	_ =	shalt  }
0x4a: {  	_ =	shalt  }
0x4b: {  	_ =	shalt  }
0x4c: {  	_ =	shalt  }
0x4d: {  	_ =	shalt  }
0x4e: {  	_ =	shalt  }
0x4f: {  	_ =	shalt  }
0x50: {  	_ =	shalt  }
0x51: {  	_ =	shalt  }
0x52: {  	_ =	shalt  }
0x53: {  	_ =	shalt  }
0x54: {  	_ =	shalt  }
0x55: {  	_ =	shalt  }
0x56: {  	_ =	shalt  }
0x57: {  	_ =	shalt  }
0x58: {  	_ =	shalt  }
0x59: {  	_ =	shalt  }
0x5a: {  	_ =	shalt  }
0x5b: {  	_ =	shalt  }
0x5c: {  	_ =	shalt  }
0x5d: {  	_ =	shalt  }
0x5e: {  	_ =	shalt  }
0x5f: {  	_ =	shalt  }
0x60: {  	_ =	shalt  }
0x61: {  	_ =	shalt  }
0x62: {  	_ =	shalt  }
0x63: {  	_ =	shalt  }
0x64: {  	_ =	shalt  }
0x65: {  	_ =	shalt  }
0x66: {  	_ =	shalt  }
0x67: {  	_ =	shalt  }
0x68: {  	_ =	shalt  }
0x69: {  	_ =	shalt  }
0x6a: {  	_ =	shalt  }
0x6b: {  	_ =	shalt  }
0x6c: {  	_ =	shalt  }
0x6d: {  	_ =	shalt  }
0x6e: {  	_ =	shalt  }
0x6f: {  	_ =	shalt  }
0x70: {  	_ =	shalt  }
0x71: {  	_ =	shalt  }
0x72: {  	_ =	shalt  }
0x73: {  	_ =	shalt  }
0x74: {  	_ =	shalt  }
0x75: {  	_ =	shalt  }
0x76: {  	_ =	shalt  }
0x77: {  	_ =	shalt  }
0x78: {  	_ =	shalt  }
0x79: {  	_ =	shalt  }
0x7a: {  	_ =	shalt  }
0x7b: {  	_ =	shalt  }
0x7c: {  	_ =	shalt  }
0x7d: {  	_ =	shalt  }
0x7e: {  	_ =	shalt  }
0x7f: {  	_ =	shalt  }
0x80: {  	_ =	shalt  }
0x81: {  	_ =	shalt  }
0x82: {  	_ =	shalt  }
0x83: {  	_ =	shalt  }
0x84: {  	_ =	shalt  }
0x85: {  	_ =	shalt  }
0x86: {  	_ =	shalt  }
0x87: {  	_ =	shalt  }
.Lfunc_end0:
.L_simem_size_0:
called_computation.1_lowered:
.L_overlay_start_0:
0x88: {  	s2 =	sld [smem:$0x3FD9]  }
0x89: {  	s3 =	sld [smem:$0x3FFE];
	_ =	sdelay $0x1  }
0x8a: {  	s1 =	srdreg.scid  }
0x8b: {  	s0 =	sand.u32 $0x1, s1  }
0x8c: {  	s17 =	sshll.u32 s0, $0xA;
	s2 =	sadd.s32 s3, s2  }
0x8d: {  	s2 =	sadd.s32 s2, s17  }
0x8e: {  	[smem:$0x3FC3] =	sst s2  }
0x8f: {  	_ = 	snop  }
0x90: {  	s2 =	sld [smem:$0x3FD0];
	(tm) =	ssettm $0x1  }
0x91: {  	s18 =	sld [smem:$0x3FFB];
	_ =	sdelay $0x3  }
0x92: {  	_ =	strace s18  }
0x93: {  	s3 =	sld [smem:$0x3FFC];
	_ =	sdelay $0x3  }
0x94: {  	_ =	strace s3  }
0x95: {  	s3 =	sld [smem:$0x3FFD];
	_ =	sdelay $0x3  }
0x96: {  	_ =	strace s3  }
0x97: {  	_ =	strace $0x8FFFFFFF  }
0x98: {  	s19 =	sld [smem:$0x3FDB];
	_ =	sdelay $0x1  }
0x99: {  	s4 =	simm.s32 $_scs_section_size  }
0x9a: {  	s5 =	simm.s32 $_size__tile_overlayer_lowered;
	s6 =	simm.s32 $_tile_overlayer_lowered  }
0x9b: {  	s22 =	simm.s32 $0x1BFF;
	s21 =	sshll.u32 s6, $0x1;
	s3 =	sadd.s32 s4, s19  }
0x9c: {  	s7 =	simm.s32 $0x0;
	s20 =	sshll.u32 s5, $0x1;
	s5 =	sadd.s32 s21, s3  }
0x9d: {  	[timem:s7], [sflag:s22] =	dma.local [hbm:s5], s20  }
0x9e: {  	_ =	swait.ge [sflag:s22], s20  }
0x9f: {  	s4 =	ssub.s32 $0x0, s20;
	[sflag:s22] =	ssyncset.done $0x0  }
0xa0: {  	[sflag:s22] =	ssyncadd.s32 s4;
	_ =	sdelay $0x1  }
0xa1: {  	s23 =	simm.s32 $0x1B8B  }
0xa2: {  	_ =	swait.ge [sflag:s23], $0x1  }
0xa3: {  	[sflag:s23] =	ssyncset.done $0x0  }
0xa4: {  	s25 =	simm.s32 $0x1B8E;
	s24 =	sld [smem:$0x3FFE];
	[sflag:s23] =	ssyncadd.s32 $0xFFFFFFFF  }
0xa5: {  	s26 =	simm.s32 $execute0_lowered;
	[smem:$0x3FD2] =	sst s25  }
0xa6: {  	s5 =	sshll.u32 s26, $0x1;
	_ =	strace $0x80000049;
	[dreg:$0x1] =	wrdreg $0xFFFFFFFF  }
0xa7: {  	s28 =	simm.s32 $_size_execute0_lowered;
	s3 =	sadd.s32 s3, s5;
	[dreg:$0x0] =	wrdreg $0x0  }
0xa8: {  	s5 =	sshll.u32 s28, $0x1;
	[dreg:$0x2] =	wrdreg s3  }
0xa9: {  	[dreg:$0x3] =	wrdreg s5  }
0xaa: {  	[dreg:$0x4] =	wrdreg $0xC0  }
0xab: {  	_ =	task [dreg:s7], $0x5FFFF  }
0xac: {  	[dreg:$0x1] =	wrdreg $0xFFFFFFFF  }
0xad: {  	[dreg:$0x0] =	wrdreg $0x60  }
0xae: {  	[dreg:$0x2] =	wrdreg s24  }
0xaf: {  	[dreg:$0x3] =	wrdreg s2  }
0xb0: {  	[dreg:$0x4] =	wrdreg $0x9  }
0xb1: {  	_ =	task.clear_ibuf [dreg:s7], $0x5FFFF;
	_ =	strace $0x90000049  }
0xb2: {  	s29 =	simm.s32 $0x9;
	_ =	strace $0x8000004B  }
0xb3: {  	_ =	swait.ge [sflag:s29], $0x1  }
0xb4: {  	[sflag:s29] =	ssyncadd.s32 $0xFFFFFFFF  }
0xb5: {  	_ =	strace $0x9000004B  }
0xb6: {  	_ =	sfence  }
0xb7: {  	s30 =	sld [smem:$0x0];
	_ =	sdelay $0x2  }
0xb8: {  	s31 =	sshll.u32 s1, $0xD;
	s1 =	sshrl.u32 s1, $0x2  }
0xb9: {  	s3 =	sand.u32 $0x4000, s31;
	s1 =	sadd.s32 s1, s30  }
0xba: {  	s0 =	sor.u32 s3, s0;
	s1 =	sshll.u32 s1, $0x11  }
0xbb: {  	s0 =	sor.u32 s1, s0  }
0xbc: {  	s0 =	sadd.s32 $0x8F2B, s0  }
0xbd: {  	[sflag:s0] =	ssyncadd.remote.s32 $0x1  }
0xbe: {  	_ =	sfence.sel $0xFFFF  }
0xbf: {  	[dreg:$0x0] =	wrdreg $0xFFFFFFFF;
	(pc) =	sbr.abs _section_cstart, $3  }
0xc0: {  	[dreg:$0x1] =	wrdreg $0xFFFFFFFF  }
0xc1: {  	_ =	task.clear_ibuf [dreg:s7], $0x2FFFF;
	_ =	strace $0x9FFFFFFF  }
0xc2: {  	(tm) =	ssettm $0x7FFFFFFF  }
0xc3: {  	_ =	shalt  }
tec
execute0_lowered:
.L_overlay_start_1:
0x0: {  	(tag) =	ssettag $0x1  }
0x1: {  	s5 =	rddreg [dreg:$0x0]  }
0x2: {  	s3 =	rddreg [dreg:$0x1];
	s2 =	simm.s32 $0x0  }
0x3: {  	s0 =	stileid.u32;
	s25 =	simm.s32 $0x880;
	[smem:$0x7FF] =	sst s2  }
0x4: {  	s26 =	simm.s32 $0x1080;
	_ =	strace $0x8000004A;
	[dreg:$0x5] =	wrdreg s25  }
0x5: {  	s4 =	sshll.u32 s0, $0x5;
	s0 =	simm.s32 $0x1880;
	[dreg:$0x6] =	wrdreg s26  }
0x6: {  	s7 =	simm.s32 $0x3080;
	[dreg:$0x7] =	wrdreg s0  }
0x7: {  	s8 =	simm.s32 $0x3880;
	[dreg:$0xa] =	wrdreg s7  }
0x8: {  	s9 =	simm.s32 $0x4080;
	[dreg:$0xb] =	wrdreg s8  }
0x9: {  	s10 =	simm.s32 $0x4880;
	[dreg:$0xc] =	wrdreg s9  }
0xa: {  	s11 =	simm.s32 $0x5080;
	[dreg:$0xd] =	wrdreg s10  }
0xb: {  	s12 =	simm.s32 $0x5880;
	[dreg:$0xe] =	wrdreg s11  }
0xc: {  	s13 =	simm.s32 $0x6080;
	[dreg:$0xf] =	wrdreg s12  }
0xd: {  	s14 =	simm.s32 $0x6880;
	[dreg:$0x10] =	wrdreg s13  }
0xe: {  	s1 =	srdreg.scid;
	s15 =	simm.s32 $0x7080;
	[dreg:$0x11] =	wrdreg s14  }
0xf: {  	s16 =	simm.s32 $0x7880;
	s17 =	simm.s32 $0x8080;
	[dreg:$0x12] =	wrdreg s15  }
0x10: {  	s18 =	simm.s32 $0x8880;
	s19 =	simm.s32 $0x9080;
	[dreg:$0x13] =	wrdreg s16  }
0x11: {  	s21 =	simm.s32 $0x9880;
	s22 =	simm.s32 $0xA080;
	[dreg:$0x14] =	wrdreg s17  }
0x12: {  	s23 =	simm.s32 $0xA880;
	s24 =	simm.s32 $0xB880;
	[dreg:$0x15] =	wrdreg s18  }
0x13: {  	s28 =	simm.s32 $0x16080;
	s29 =	simm.s32 $0x16880;
	[dreg:$0x16] =	wrdreg s19  }
0x14: {  	s30 =	simm.s32 $0x17080;
	s1 =	sand.u32 $0x1, s1;
	[dreg:$0x17] =	wrdreg s21  }
0x15: {  	s31 =	simm.s32 $0x17880;
	s6 =	sshll.u32 s1, $0x4;
	[dreg:$0x18] =	wrdreg s22  }
0x16: {  	s1 =	ssub.s32 $0x2, s1;
	[dreg:$0x19] =	wrdreg s23;
	s7 =	simm.s32 $0xB080  }
0x17: {  	[dreg:$0x1b] =	wrdreg s24;
	s25 =	simm.s32 $0xC080;
	s8 =	simm.s32 $0x80  }
0x18: {  	s26 =	simm.s32 $0xC880;
	s10 =	simm.s32 $0xD880;
	s11 =	simm.s32 $0xE080  }
0x19: {  	s12 =	simm.s32 $0xE880;
	s13 =	simm.s32 $0xF080;
	s14 =	simm.s32 $0xF880  }
0x1a: {  	s15 =	simm.s32 $0x10080;
	s16 =	simm.s32 $0x10880;
	s17 =	simm.s32 $0x11080  }
0x1b: {  	s18 =	simm.s32 $0x11880;
	s19 =	simm.s32 $0x12080;
	s21 =	simm.s32 $0x13080  }
0x1c: {  	s22 =	simm.s32 $0x13880;
	s23 =	simm.s32 $0x14080;
	[dreg:$0x1a] =	wrdreg s7  }
0x1d: {  	s24 =	simm.s32 $0x14880;
	s4 =	sor.u32 s6, s4;
	[dreg:$0x1c] =	wrdreg s25  }
0x1e: {  	s20 =	sshrl.u32 s1, $0x1;
	s7 =	simm.s32 $0x2;
	[dreg:$0x1d] =	wrdreg s26  }
0x1f: {  	s25 =	simm.s32 $0x15080;
	s6 =	smul.u32 $0x300, s4;
	s4 =	sadd.s32 s5, s4  }
0x20: {  	s26 =	simm.s32 $0x15880;
	[dreg:$0x3] =	wrdreg s4;
	s4 =	simm.s32 $0x2080  }
0x21: {  	s1 =	ssub.s32 s1, s20;
	s3 =	sadd.s32 s3, s6;
	[dreg:$0x8] =	wrdreg s4  }
0x22: {  	v2 =	vlaneseq.u32;
	s20 =	simm.s32 $0x12880;
	s6 =	simm.s32 $0x2880;
	[dreg:$0x4] =	wrdreg s3  }
0x23: {  	vm0 =	vmmov $0xffff;
	v1 =	vshrl.u32 v2, $0x3;
	s4 =	sadd.s32 $0xC0300, s5;
	[dreg:$0x9] =	wrdreg s6;
	s3 =	sadd.s32 $0xC0200, s5  }
0x24: {  	v0 =	vand.u32 $0x7, v2;
	v2 =	vor.u32 $0x8, v2;
	v1 =	vmul.u32 $0x8, v1;
	s5 =	sadd.s32 $0xC0400, s5;
	s6 =	smax.u32 s1, $0x1;
	s1 =	simm.s32 $0x1  }
.LBB2_1:
0x25: {  	s0 =	rddreg [dreg:$0x3]  }
0x26: {  	[tilespmem:s2], [sflag:$0x2] =	stream.linear.gather [hbm4b:s0+s2], $0x80, $0x38;
	[tilespmem:$0x18080] =	vst v63  }
0x27: {  	_ =	swait.ge [sflag:s7], $0x80  }
0x28: {  	[sflag:s7] =	ssyncset.done $0x0  }
0x29: {  	[sflag:s7] =	ssyncadd.s32 $0xFFFFFF80  }
0x2a: {  	v3 =	vld [tilespmem:$0x0];
	_ =	sdelay $0x4  }
0x2b: {  	v4 =	vshrl.u32 v3, $0x3  }
0x2c: {  	v4 =	vmul.u32 $0x30, v4  }
0x2d: {  	v3 =	vand.u32 $0x7, v3  }
0x2e: {  	v3 =	vor.u32 v3, v4  }
0x2f: {  	v4 =	vperm.xlane v3, v0;
	_ =	sdelay $0x1  }
0x30: {  	v4 =	vadd.s32 v1, v4;
	_ =	sdelay $0x3  }
0x31: {  	v3 =	vperm.xlane v3, v2  }
0x32: {  	[tilespmem:s8], [sflag:$0x1] =	stream.indirect_vreg.gather [hbm4b:s3+s2], $0x80, v4, vm0, $0xb8;
	[tilespmem:$0x18080] =	vst v63  }
0x33: {  	s0 =	rddreg [dreg:$0x5];
	v3 =	vadd.s32 v1, v3  }
0x34: {  	[tilespmem:s0], [sflag:$0x1] =	stream.indirect_vreg.gather [hbm4b:s4+s2], $0x80, v4, vm0, $0xb8;
	[tilespmem:$0x18080] =	vst v63  }
0x35: {  	s9 =	rddreg [dreg:$0x6]  }
0x36: {  	[tilespmem:s9], [sflag:$0x1] =	stream.indirect_vreg.gather [hbm4b:s5+s2], $0x80, v4, vm0, $0xb8;
	[tilespmem:$0x18080] =	vst v63  }
0x37: {  	s0 =	rddreg [dreg:$0x7]  }
0x38: {  	[tilespmem:s0], [sflag:$0x1] =	stream.indirect_vreg.gather [hbm4b:s3+s2], $0x80, v3, vm0, $0xb8;
	[tilespmem:$0x18080] =	vst v63  }
0x39: {  	s9 =	rddreg [dreg:$0x8]  }
0x3a: {  	[tilespmem:s9], [sflag:$0x1] =	stream.indirect_vreg.gather [hbm4b:s4+s2], $0x80, v3, vm0, $0xb8;
	[tilespmem:$0x18080] =	vst v63  }
0x3b: {  	s0 =	rddreg [dreg:$0x9]  }
0x3c: {  	[tilespmem:s0], [sflag:$0x1] =	stream.indirect_vreg.gather [hbm4b:s5+s2], $0x80, v3, vm0, $0xb8;
	[tilespmem:$0x18080] =	vst v63  }
0x3d: {  	v3 =	vld [tilespmem:$0x10];
	_ =	sdelay $0x4  }
0x3e: {  	v57 =	vshrl.u32 v3, $0x3  }
0x3f: {  	v4 =	vmul.u32 $0x30, v57  }
0x40: {  	v3 =	vand.u32 $0x7, v3  }
0x41: {  	v3 =	vor.u32 v3, v4  }
0x42: {  	v4 =	vperm.xlane v3, v0;
	_ =	sdelay $0x1  }
0x43: {  	v4 =	vadd.s32 v1, v4;
	_ =	sdelay $0x3  }
0x44: {  	s0 =	rddreg [dreg:$0xa];
	v3 =	vperm.xlane v3, v2  }
0x45: {  	[tilespmem:s0], [sflag:$0x1] =	stream.indirect_vreg.gather [hbm4b:s3+s2], $0x80, v4, vm0, $0xb8;
	[tilespmem:$0x18080] =	vst v63  }
0x46: {  	s9 =	rddreg [dreg:$0xb];
	v3 =	vadd.s32 v1, v3  }
0x47: {  	[tilespmem:s9], [sflag:$0x1] =	stream.indirect_vreg.gather [hbm4b:s4+s2], $0x80, v4, vm0, $0xb8;
	[tilespmem:$0x18080] =	vst v63  }
0x48: {  	s0 =	rddreg [dreg:$0xc]  }
0x49: {  	[tilespmem:s0], [sflag:$0x1] =	stream.indirect_vreg.gather [hbm4b:s5+s2], $0x80, v4, vm0, $0xb8;
	[tilespmem:$0x18080] =	vst v63  }
0x4a: {  	s9 =	rddreg [dreg:$0xd]  }
0x4b: {  	[tilespmem:s9], [sflag:$0x1] =	stream.indirect_vreg.gather [hbm4b:s3+s2], $0x80, v3, vm0, $0xb8;
	[tilespmem:$0x18080] =	vst v63  }
0x4c: {  	s0 =	rddreg [dreg:$0xe]  }
0x4d: {  	[tilespmem:s0], [sflag:$0x1] =	stream.indirect_vreg.gather [hbm4b:s4+s2], $0x80, v3, vm0, $0xb8;
	[tilespmem:$0x18080] =	vst v63  }
0x4e: {  	s9 =	rddreg [dreg:$0xf]  }
0x4f: {  	[tilespmem:s9], [sflag:$0x1] =	stream.indirect_vreg.gather [hbm4b:s5+s2], $0x80, v3, vm0, $0xb8;
	[tilespmem:$0x18080] =	vst v63  }
0x50: {  	v3 =	vld [tilespmem:$0x20];
	_ =	sdelay $0x4  }
0x51: {  	v58 =	vshrl.u32 v3, $0x3  }
0x52: {  	v4 =	vmul.u32 $0x30, v58  }
0x53: {  	v3 =	vand.u32 $0x7, v3  }
0x54: {  	v3 =	vor.u32 v3, v4  }
0x55: {  	v4 =	vperm.xlane v3, v0;
	_ =	sdelay $0x1  }
0x56: {  	v4 =	vadd.s32 v1, v4;
	_ =	sdelay $0x3  }
0x57: {  	s0 =	rddreg [dreg:$0x10];
	v3 =	vperm.xlane v3, v2  }
0x58: {  	[tilespmem:s0], [sflag:$0x1] =	stream.indirect_vreg.gather [hbm4b:s3+s2], $0x80, v4, vm0, $0xb8;
	[tilespmem:$0x18080] =	vst v63  }
0x59: {  	s9 =	rddreg [dreg:$0x11];
	v3 =	vadd.s32 v1, v3  }
0x5a: {  	[tilespmem:s9], [sflag:$0x1] =	stream.indirect_vreg.gather [hbm4b:s4+s2], $0x80, v4, vm0, $0xb8;
	[tilespmem:$0x18080] =	vst v63  }
0x5b: {  	s0 =	rddreg [dreg:$0x12]  }
0x5c: {  	[tilespmem:s0], [sflag:$0x1] =	stream.indirect_vreg.gather [hbm4b:s5+s2], $0x80, v4, vm0, $0xb8;
	[tilespmem:$0x18080] =	vst v63  }
0x5d: {  	s9 =	rddreg [dreg:$0x13]  }
0x5e: {  	[tilespmem:s9], [sflag:$0x1] =	stream.indirect_vreg.gather [hbm4b:s3+s2], $0x80, v3, vm0, $0xb8;
	[tilespmem:$0x18080] =	vst v63  }
0x5f: {  	s0 =	rddreg [dreg:$0x14]  }
0x60: {  	[tilespmem:s0], [sflag:$0x1] =	stream.indirect_vreg.gather [hbm4b:s4+s2], $0x80, v3, vm0, $0xb8;
	[tilespmem:$0x18080] =	vst v63  }
0x61: {  	s9 =	rddreg [dreg:$0x15]  }
0x62: {  	[tilespmem:s9], [sflag:$0x1] =	stream.indirect_vreg.gather [hbm4b:s5+s2], $0x80, v3, vm0, $0xb8;
	[tilespmem:$0x18080] =	vst v63  }
0x63: {  	v3 =	vld [tilespmem:$0x30];
	_ =	sdelay $0x4  }
0x64: {  	v59 =	vshrl.u32 v3, $0x3  }
0x65: {  	v4 =	vmul.u32 $0x30, v59  }
0x66: {  	v3 =	vand.u32 $0x7, v3  }
0x67: {  	v3 =	vor.u32 v3, v4  }
0x68: {  	v4 =	vperm.xlane v3, v0;
	_ =	sdelay $0x1  }
0x69: {  	v4 =	vadd.s32 v1, v4;
	_ =	sdelay $0x3  }
0x6a: {  	s0 =	rddreg [dreg:$0x16];
	v3 =	vperm.xlane v3, v2  }
0x6b: {  	[tilespmem:s0], [sflag:$0x1] =	stream.indirect_vreg.gather [hbm4b:s3+s2], $0x80, v4, vm0, $0xb8;
	[tilespmem:$0x18080] =	vst v63  }
0x6c: {  	s9 =	rddreg [dreg:$0x17];
	v3 =	vadd.s32 v1, v3  }
0x6d: {  	[tilespmem:s9], [sflag:$0x1] =	stream.indirect_vreg.gather [hbm4b:s4+s2], $0x80, v4, vm0, $0xb8;
	[tilespmem:$0x18080] =	vst v63  }
0x6e: {  	s0 =	rddreg [dreg:$0x18]  }
0x6f: {  	[tilespmem:s0], [sflag:$0x1] =	stream.indirect_vreg.gather [hbm4b:s5+s2], $0x80, v4, vm0, $0xb8;
	[tilespmem:$0x18080] =	vst v63  }
0x70: {  	s9 =	rddreg [dreg:$0x19]  }
0x71: {  	[tilespmem:s9], [sflag:$0x1] =	stream.indirect_vreg.gather [hbm4b:s3+s2], $0x80, v3, vm0, $0xb8;
	[tilespmem:$0x18080] =	vst v63  }
0x72: {  	s0 =	rddreg [dreg:$0x1a]  }
0x73: {  	[tilespmem:s0], [sflag:$0x1] =	stream.indirect_vreg.gather [hbm4b:s4+s2], $0x80, v3, vm0, $0xb8;
	[tilespmem:$0x18080] =	vst v63  }
0x74: {  	s9 =	rddreg [dreg:$0x1b]  }
0x75: {  	[tilespmem:s9], [sflag:$0x1] =	stream.indirect_vreg.gather [hbm4b:s5+s2], $0x80, v3, vm0, $0xb8;
	[tilespmem:$0x18080] =	vst v63  }
0x76: {  	v3 =	vld [tilespmem:$0x40];
	_ =	sdelay $0x4  }
0x77: {  	v60 =	vshrl.u32 v3, $0x3  }
0x78: {  	v4 =	vmul.u32 $0x30, v60  }
0x79: {  	v3 =	vand.u32 $0x7, v3  }
0x7a: {  	v3 =	vor.u32 v3, v4  }
0x7b: {  	v4 =	vperm.xlane v3, v0;
	_ =	sdelay $0x1  }
0x7c: {  	v4 =	vadd.s32 v1, v4;
	_ =	sdelay $0x3  }
0x7d: {  	s0 =	rddreg [dreg:$0x1c];
	v3 =	vperm.xlane v3, v2  }
0x7e: {  	[tilespmem:s0], [sflag:$0x1] =	stream.indirect_vreg.gather [hbm4b:s3+s2], $0x80, v4, vm0, $0xb8;
	[tilespmem:$0x18080] =	vst v63  }
0x7f: {  	s9 =	rddreg [dreg:$0x1d];
	v3 =	vadd.s32 v1, v3  }
0x80: {  	[tilespmem:s9], [sflag:$0x1] =	stream.indirect_vreg.gather [hbm4b:s4+s2], $0x80, v4, vm0, $0xb8;
	[tilespmem:$0x18080] =	vst v63  }
0x81: {  	s9 =	simm.s32 $0xD080  }
0x82: {  	[tilespmem:s9], [sflag:$0x1] =	stream.indirect_vreg.gather [hbm4b:s5+s2], $0x80, v4, vm0, $0xb8;
	[tilespmem:$0x18080] =	vst v63  }
0x83: {  	_ = 	snop  }
0x84: {  	[tilespmem:s10], [sflag:$0x1] =	stream.indirect_vreg.gather [hbm4b:s3+s2], $0x80, v3, vm0, $0xb8;
	[tilespmem:$0x18080] =	vst v63  }
0x85: {  	_ = 	snop  }
0x86: {  	[tilespmem:s11], [sflag:$0x1] =	stream.indirect_vreg.gather [hbm4b:s4+s2], $0x80, v3, vm0, $0xb8;
	[tilespmem:$0x18080] =	vst v63  }
0x87: {  	_ = 	snop  }
0x88: {  	[tilespmem:s12], [sflag:$0x1] =	stream.indirect_vreg.gather [hbm4b:s5+s2], $0x80, v3, vm0, $0xb8;
	[tilespmem:$0x18080] =	vst v63  }
0x89: {  	v3 =	vld [tilespmem:$0x50];
	_ =	sdelay $0x4  }
0x8a: {  	v61 =	vshrl.u32 v3, $0x3  }
0x8b: {  	v4 =	vmul.u32 $0x30, v61  }
0x8c: {  	v3 =	vand.u32 $0x7, v3  }
0x8d: {  	v3 =	vor.u32 v3, v4  }
0x8e: {  	v4 =	vperm.xlane v3, v0;
	_ =	sdelay $0x1  }
0x8f: {  	v4 =	vadd.s32 v1, v4;
	_ =	sdelay $0x3  }
0x90: {  	v3 =	vperm.xlane v3, v2  }
0x91: {  	[tilespmem:s13], [sflag:$0x1] =	stream.indirect_vreg.gather [hbm4b:s3+s2], $0x80, v4, vm0, $0xb8;
	[tilespmem:$0x18080] =	vst v63  }
0x92: {  	v3 =	vadd.s32 v1, v3  }
0x93: {  	[tilespmem:s14], [sflag:$0x1] =	stream.indirect_vreg.gather [hbm4b:s4+s2], $0x80, v4, vm0, $0xb8;
	[tilespmem:$0x18080] =	vst v63  }
0x94: {  	_ = 	snop  }
0x95: {  	[tilespmem:s15], [sflag:$0x1] =	stream.indirect_vreg.gather [hbm4b:s5+s2], $0x80, v4, vm0, $0xb8;
	[tilespmem:$0x18080] =	vst v63  }
0x96: {  	_ = 	snop  }
0x97: {  	[tilespmem:s16], [sflag:$0x1] =	stream.indirect_vreg.gather [hbm4b:s3+s2], $0x80, v3, vm0, $0xb8;
	[tilespmem:$0x18080] =	vst v63  }
0x98: {  	_ = 	snop  }
0x99: {  	[tilespmem:s17], [sflag:$0x1] =	stream.indirect_vreg.gather [hbm4b:s4+s2], $0x80, v3, vm0, $0xb8;
	[tilespmem:$0x18080] =	vst v63  }
0x9a: {  	_ = 	snop  }
0x9b: {  	[tilespmem:s18], [sflag:$0x1] =	stream.indirect_vreg.gather [hbm4b:s5+s2], $0x80, v3, vm0, $0xb8;
	[tilespmem:$0x18080] =	vst v63  }
0x9c: {  	v3 =	vld [tilespmem:$0x60];
	_ =	sdelay $0x4  }
0x9d: {  	v62 =	vshrl.u32 v3, $0x3  }
0x9e: {  	v4 =	vmul.u32 $0x30, v62  }
0x9f: {  	v3 =	vand.u32 $0x7, v3  }
0xa0: {  	v3 =	vor.u32 v3, v4  }
0xa1: {  	v4 =	vperm.xlane v3, v0;
	_ =	sdelay $0x1  }
0xa2: {  	v4 =	vadd.s32 v1, v4;
	_ =	sdelay $0x3  }
0xa3: {  	v3 =	vperm.xlane v3, v2  }
0xa4: {  	[tilespmem:s19], [sflag:$0x1] =	stream.indirect_vreg.gather [hbm4b:s3+s2], $0x80, v4, vm0, $0xb8;
	[tilespmem:$0x18080] =	vst v63  }
0xa5: {  	v3 =	vadd.s32 v1, v3  }
0xa6: {  	[tilespmem:s20], [sflag:$0x1] =	stream.indirect_vreg.gather [hbm4b:s4+s2], $0x80, v4, vm0, $0xb8;
	[tilespmem:$0x18080] =	vst v63  }
0xa7: {  	_ = 	snop  }
0xa8: {  	[tilespmem:s21], [sflag:$0x1] =	stream.indirect_vreg.gather [hbm4b:s5+s2], $0x80, v4, vm0, $0xb8;
	[tilespmem:$0x18080] =	vst v63  }
0xa9: {  	_ = 	snop  }
0xaa: {  	[tilespmem:s22], [sflag:$0x1] =	stream.indirect_vreg.gather [hbm4b:s3+s2], $0x80, v3, vm0, $0xb8;
	[tilespmem:$0x18080] =	vst v63  }
0xab: {  	_ = 	snop  }
0xac: {  	[tilespmem:s23], [sflag:$0x1] =	stream.indirect_vreg.gather [hbm4b:s4+s2], $0x80, v3, vm0, $0xb8;
	[tilespmem:$0x18080] =	vst v63  }
0xad: {  	_ = 	snop  }
0xae: {  	[tilespmem:s24], [sflag:$0x1] =	stream.indirect_vreg.gather [hbm4b:s5+s2], $0x80, v3, vm0, $0xb8;
	[tilespmem:$0x18080] =	vst v63  }
0xaf: {  	v3 =	vld [tilespmem:$0x70];
	_ =	sdelay $0x4  }
0xb0: {  	v63 =	vshrl.u32 v3, $0x3  }
0xb1: {  	v4 =	vmul.u32 $0x30, v63  }
0xb2: {  	v3 =	vand.u32 $0x7, v3  }
0xb3: {  	v3 =	vor.u32 v3, v4  }
0xb4: {  	v4 =	vperm.xlane v3, v0;
	_ =	sdelay $0x1  }
0xb5: {  	v4 =	vadd.s32 v1, v4;
	_ =	sdelay $0x3  }
0xb6: {  	v3 =	vperm.xlane v3, v2  }
0xb7: {  	[tilespmem:s25], [sflag:$0x1] =	stream.indirect_vreg.gather [hbm4b:s3+s2], $0x80, v4, vm0, $0xb8;
	[tilespmem:$0x18080] =	vst v63  }
0xb8: {  	v3 =	vadd.s32 v1, v3  }
0xb9: {  	[tilespmem:s26], [sflag:$0x1] =	stream.indirect_vreg.gather [hbm4b:s4+s2], $0x80, v4, vm0, $0xb8;
	[tilespmem:$0x18080] =	vst v63  }
0xba: {  	_ = 	snop  }
0xbb: {  	[tilespmem:s28], [sflag:$0x1] =	stream.indirect_vreg.gather [hbm4b:s5+s2], $0x80, v4, vm0, $0xb8;
	[tilespmem:$0x18080] =	vst v63  }
0xbc: {  	_ = 	snop  }
0xbd: {  	[tilespmem:s29], [sflag:$0x1] =	stream.indirect_vreg.gather [hbm4b:s3+s2], $0x80, v3, vm0, $0xb8;
	[tilespmem:$0x18080] =	vst v63  }
0xbe: {  	_ = 	snop  }
0xbf: {  	[tilespmem:s30], [sflag:$0x1] =	stream.indirect_vreg.gather [hbm4b:s4+s2], $0x80, v3, vm0, $0xb8;
	[tilespmem:$0x18080] =	vst v63  }
0xc0: {  	_ = 	snop  }
0xc1: {  	[tilespmem:s31], [sflag:$0x1] =	stream.indirect_vreg.gather [hbm4b:s5+s2], $0x80, v3, vm0, $0xb8;
	[tilespmem:$0x18080] =	vst v63  }
0xc2: {  	_ =	swait.ge [sflag:s1], $0x18000  }
0xc3: {  	p0 =	sne.s32 s6, $0x1;
	[sflag:s1] =	ssyncset.done $0x0  }
.Ltmp0:
0xc4: {  	s9 =	rddreg [dreg:$0x4];
	[sflag:s1] =	ssyncadd.s32 $0xFFFE8000;
	(pc) =	sbr.rel @p0 .LBB2_1-.Ltmp0, $4  }
0xc5: {  	[hbm4b:s9+s2] =	stream.linear.scatter [tilespmem:s8], [sflag:$0x2], $0x18000, $0x38;
	[tilespmem:$0x18080] =	vst v63  }
0xc6: {  	_ =	swait.ge [sflag:s7], $0x18000  }
0xc7: {  	[sflag:s7] =	ssyncset.done $0x0  }
0xc8: {  	s6 =	sadd.s32 $0xFFFFFFFF, s6;
	[sflag:s7] =	ssyncadd.s32 $0xFFFE8000  }
0xc9: {  	_ =	sfence.sel $0x180000  }
0xca: {  	[bflag:$0x0] =	sbarrier.arrive $0xFFFF  }
0xcb: {  	_ =	strace $0x9000004A  }
0xcc: {  	s0 =	stileid.u32;
	[bflag:$0x2] =	sbarrier.arrive $0xFFFF  }
0xcd: {  	p0 =	sne.s32 s0, $0x0;
	s0 =	rddreg [dreg:$0x2]  }
0xce: {  	s0 =	sadd.s32 @!p0 $0x100000, s0  }
0xcf: {  	[sflag:s0] =	ssyncadd.tile.s32 @!p0 $0x1;
	_ =	shalt  }
.Lfunc_end2:
_tile_overlayer_lowered:
.L_overlay_start_2:
0xd0: {  	(tag) =	ssettag $0x2  }
0xd1: {  	s0 =	rddreg [dreg:$0x0];
	s2 =	stileid.u32  }
0xd2: {  	s1 =	rddreg [dreg:$0x1];
	p0 =	sne.s32 s2, $0x0  }
0xd3: {  	s3 =	rddreg [dreg:$0x2];
	[bflag:$0x3] =	sbarrier.arrive $0xFFFF;
	s2 =	simm.s32 @!p0 $0x1C02  }
0xd4: {  	[timem:s3], [sflag:s2] =	dma.local @!p0 [hbm:s0], s1  }
0xd5: {  	s0 =	simm.s32 @!p0 $0x2  }
0xd6: {  	_ =	swait.ge @!p0 [sflag:s0], s1  }
0xd7: {  	s1 =	ssub.s32 @!p0 $0x0, s1;
	[sflag:s0] =	ssyncset.done @!p0 $0x0  }
0xd8: {  	[sflag:s0] =	ssyncadd.s32 @!p0 s1  }
0xd9: {  	[bflag:$0x3] =	sbarrier.arrive $0xFFFF  }
0xda: {  	_ =	shalt  }

</sc_bundles>
